<compile_context>
chip_gen: v7x
topology: tpu7x:2x2x1
jax: 0.10.2.dev20260603
libtpu: 0.0.44.dev20260713+nightly
codegen_flags: <defaults>
</compile_context>

<pallas_src>
import functools

import jax
import jax.numpy as jnp
from jax import lax
from jax.experimental import pallas as pl
from jax.experimental.pallas import tpu as pltpu
from jax.experimental.pallas import tpu_sc as plsc

NC = 2
NS = 16
NW = NC * NS
L = 16
CB = 1000


def _ceil_to(x, m):
    return (x + m - 1) // m * m


@functools.lru_cache(maxsize=None)
def _make_sc_call(T, N, E):
    assert T == L, "kernel assumes one timestep per vector lane"
    EW = E // NW
    NCHUNK = EW // CB
    assert EW % CB == 0 and CB % 8 == 0 and EW % 8 == 0
    RW = _ceil_to(N, NW * 8) // NW
    assert RW % 8 == 0 and (NW * RW - N) % 8 == 0 and N >= RW

    mesh = plsc.VectorSubcoreMesh(core_axis_name="c", subcore_axis_name="s")

    def body(tabuv, ei, outh, idx, gbuf, vbuf, osc,
             semg, semv):
        tabu = tabuv.at[0]
        tabv = tabuv.at[1]
        wid = lax.axis_index("s") * NC + lax.axis_index("c")
        ebase = wid * EW
        zero = jnp.zeros((L,), jnp.float32)

        vbase = jnp.minimum(wid * RW, N - RW)
        vskip = wid * RW - vbase
        pltpu.async_copy(tabv.at[pl.ds(vbase, RW)], vbuf, semv)

        def load_fire(c, s):
            base = ebase + c * CB
            pltpu.sync_copy(ei.at[0, pl.ds(base, CB)], idx.at[s, 0])
            pltpu.sync_copy(ei.at[1, pl.ds(base, CB)], idx.at[s, 1])
            pltpu.async_copy(tabu.at[idx.at[s, 0]], gbuf.at[s, 0], semg.at[s])
            pltpu.async_copy(tabu.at[idx.at[s, 1]], gbuf.at[s, 1], semg.at[s])

        load_fire(0, 0)
        load_fire(1, 1)

        def chunk(i, acc):
            s = lax.rem(i, 3)

            @pl.when(i + 2 < NCHUNK)
            def _():
                load_fire(i + 2, lax.rem(i + 2, 3))

            pltpu.make_async_copy(
                tabu.at[idx.at[s, 0]], gbuf.at[s, 0], semg.at[s]).wait()
            pltpu.make_async_copy(
                tabu.at[idx.at[s, 1]], gbuf.at[s, 1], semg.at[s]).wait()

            def edge8(j, accs):
                a0, a1 = accs
                e = j * 8
                d = gbuf[s, 0, e] - gbuf[s, 1, e]
                a0 = a0 + d * d
                d = gbuf[s, 0, e + 1] - gbuf[s, 1, e + 1]
                a1 = a1 + d * d
                d = gbuf[s, 0, e + 2] - gbuf[s, 1, e + 2]
                a0 = a0 + d * d
                d = gbuf[s, 0, e + 3] - gbuf[s, 1, e + 3]
                a1 = a1 + d * d
                d = gbuf[s, 0, e + 4] - gbuf[s, 1, e + 4]
                a0 = a0 + d * d
                d = gbuf[s, 0, e + 5] - gbuf[s, 1, e + 5]
                a1 = a1 + d * d
                d = gbuf[s, 0, e + 6] - gbuf[s, 1, e + 6]
                a0 = a0 + d * d
                d = gbuf[s, 0, e + 7] - gbuf[s, 1, e + 7]
                a1 = a1 + d * d
                return (a0, a1)

            accs = lax.fori_loop(0, CB // 8, edge8, (zero, zero))
            return acc + (accs[0] + accs[1])

        pe = lax.fori_loop(0, NCHUNK, chunk, zero)

        pltpu.make_async_copy(tabv.at[pl.ds(vbase, RW)], vbuf, semv).wait()

        def krow8(j, a):
            r = j * 8
            x = vbuf[r]
            a = a + x * x
            x = vbuf[r + 1]
            a = a + x * x
            x = vbuf[r + 2]
            a = a + x * x
            x = vbuf[r + 3]
            a = a + x * x
            x = vbuf[r + 4]
            a = a + x * x
            x = vbuf[r + 5]
            a = a + x * x
            x = vbuf[r + 6]
            a = a + x * x
            x = vbuf[r + 7]
            a = a + x * x
            return a

        ke = lax.fori_loop(vskip // 8, RW // 8, krow8, zero)
        osc[...] = pe + ke
        pltpu.sync_copy(osc, outh.at[wid])

    call = pl.kernel(
        body,
        out_type=jax.ShapeDtypeStruct((NW, L), jnp.float32),
        mesh=mesh,
        scratch_types=[
            pltpu.VMEM((3, 2, CB), jnp.int32),
            pltpu.VMEM((3, 2, CB, L), jnp.float32),
            pltpu.VMEM((RW, L), jnp.float32),
            pltpu.VMEM((L,), jnp.float32),
            pltpu.SemaphoreType.DMA((3,)),
            pltpu.SemaphoreType.DMA,
        ],
        compiler_params=pltpu.CompilerParams(use_tc_tiling_on_sc=False),
    )
    return call


def kernel(states, edge_index):
    T, N, _ = states.shape
    E = edge_index.shape[1]
    call = _make_sc_call(T, N, E)

    tabuv = jnp.transpose(states, (2, 1, 0))
    ei = edge_index.astype(jnp.int32)
    outh = call(tabuv, ei)

    H = 0.5 * jnp.sum(outh, axis=0)
    dH = H[1:] - H[:-1]
    return jnp.sum(dH * dH) / (T - 1)

# --- scband reference (transcript-rebuilt; emitter-appended) ---
"""Pipeline reference for scband-symplectic-loss-65240553226275 (READ-ONLY COPY).

The authoritative reference and input builder live on the scoring server;
editing this copy changes nothing except your own understanding.
"""

import jax, jax.numpy as jnp
import numpy as np

LAMBDA_EDGES = 1.0
REDUCTION = 'mean'
U_CHANNELS = (0,)
V_CHANNELS = (1,)


def setup_inputs(seed: int = 0) -> dict:
    key = jax.random.key(seed)
    k1, k2 = jax.random.split(key)
    states = jax.random.normal(k1, (16, 50000, 2), dtype=jnp.float32)
    edge_index = jax.random.randint(k2, (2, 1600000), 0, 50000, dtype=jnp.int64)
    return {"states": states, "edge_index": edge_index}


def _hamiltonian(u, v, edge_index, lam):
    # u, v: [N]; edge_index: [2, E]
    u_n = u.reshape(-1)
    v_n = v.reshape(-1)
    ke = 0.5 * jnp.sum(v_n * v_n)
    row = edge_index[0]
    col = edge_index[1]
    du = jnp.take(u_n, row) - jnp.take(u_n, col)
    pe = 0.5 * lam * jnp.sum(du * du)
    return ke + pe


def reference(states, edge_index):
    # states: [T, N, C], edge_index: [2, E]
    T = states.shape[0]
    lam = LAMBDA_EDGES
    u_ch = jnp.asarray(list(U_CHANNELS))
    v_ch = jnp.asarray(list(V_CHANNELS))
    # per-timestep scalar H, vectorized over T (faithful to the python loop)
    u_all = jnp.take(states, u_ch, axis=2).sum(axis=-1)  # [T, N]
    v_all = jnp.take(states, v_ch, axis=2).sum(axis=-1)  # [T, N]
    H = jax.vmap(lambda u, v: _hamiltonian(u, v, edge_index, lam))(u_all, v_all)  # [T]
    dH = H[1:] - H[:-1]
    loss = jnp.sum(dH * dH)
    if REDUCTION == 'mean':
        loss = loss / float(T - 1)
    return loss

if __name__ == "__main__":
    import jax
    _d = setup_inputs()
    print(jax.jit(kernel)(*tuple(_d.values())))

</pallas_src>

<mosaic_0001>
#map = affine_map<(d0, d1) -> (0, 0, 0)>
#map1 = affine_map<(d0, d1) -> (0, 0)>
module attributes {stable_mosaic.version = 14 : i64} {
  func.func @body(%arg0: i32, %arg1: i32, %arg2: memref<2x50000x16xf32, #tpu.memory_space<hbm>>, %arg3: memref<2x1600000xi32, #tpu.memory_space<hbm>>, %arg4: memref<32x16xf32, #tpu.memory_space<hbm>>, %arg5: memref<3x2x1000xi32, #tpu.memory_space<vmem>>, %arg6: memref<3x2x1000x16xf32, #tpu.memory_space<vmem>>, %arg7: memref<1568x16xf32, #tpu.memory_space<vmem>>, %arg8: memref<16xf32, #tpu.memory_space<vmem>>, %arg9: memref<3x!tpu.dma_semaphore, #tpu.memory_space<semaphore_mem>>, %arg10: memref<!tpu.dma_semaphore, #tpu.memory_space<semaphore_mem>>) attributes {dimension_semantics = [#tpu.dimension_semantics<core_parallel>, #tpu.dimension_semantics<subcore_parallel>], iteration_bounds = array<i64: 2, 16>, scalar_prefetch = 0 : i64, scratch_operands = 6 : i64, tpu.core_type = #tpu.core_type<sc_vector_subcore>, window_params = [{transform_indices = #map}, {transform_indices = #map1}, {transform_indices = #map1}]} {
    %mul3A = arith.constant 2 : i32
    %mul3A_0 = arith.muli %arg1, %mul3A : i32
    %add3A = arith.addi %mul3A_0, %arg0 : i32
    %mul3A_1 = arith.constant 50000 : i32
    %mul3A_2 = arith.muli %add3A, %mul3A_1 : i32
    %broadcast_in_dim3A = arith.constant 0.000000e+00 : f32
    %broadcast_in_dim3A_3 = vector.broadcast %broadcast_in_dim3A : f32 to vector<16xf32>
    %mul3A_4 = arith.constant 1568 : i32
    %mul3A_5 = arith.muli %add3A, %mul3A_4 : i32
    %min3A = arith.constant 48432 : i32
    %min3A_6 = arith.minsi %mul3A_5, %min3A : i32
    %mul3A_7 = arith.constant 1568 : i32
    %mul3A_8 = arith.muli %add3A, %mul3A_7 : i32
    %sub3A = arith.subi %mul3A_8, %min3A_6 : i32
    %dma_start3A = arith.constant 1 : i32
    %dma_start3A_9 = arith.constant 0 : i32
    %dma_start3A_10 = arith.constant 0 : i32
    %dma_start3A_11 = tpu.memref_slice %arg2[%dma_start3A, %dma_start3A_9, %dma_start3A_10] : memref<2x50000x16xf32, #tpu.memory_space<hbm>> -> memref<1x50000x16xf32, #tpu.memory_space<hbm>>
    %dma_start3A_12 = tpu.memref_squeeze %dma_start3A_11 : memref<1x50000x16xf32, #tpu.memory_space<hbm>> -> memref<50000x16xf32, #tpu.memory_space<hbm>>
    %dma_start3A_13 = arith.constant 0 : i32
    %dma_start3A_14 = tpu.memref_slice %dma_start3A_12[%min3A_6, %dma_start3A_13] : memref<50000x16xf32, #tpu.memory_space<hbm>> -> memref<1568x16xf32, #tpu.memory_space<hbm>>
    %dma_start3A_15 = arith.constant 0 : i32
    %dma_start3A_16 = arith.constant 0 : i32
    %dma_start3A_17 = tpu.memref_slice %arg2[%dma_start3A, %dma_start3A_15, %dma_start3A_16] : memref<2x50000x16xf32, #tpu.memory_space<hbm>> -> memref<1x50000x16xf32, #tpu.memory_space<hbm>>
    %dma_start3A_18 = tpu.memref_squeeze %dma_start3A_17 : memref<1x50000x16xf32, #tpu.memory_space<hbm>> -> memref<50000x16xf32, #tpu.memory_space<hbm>>
    %dma_start3A_19 = arith.constant 0 : i32
    %dma_start3A_20 = tpu.memref_slice %dma_start3A_18[%min3A_6, %dma_start3A_19] : memref<50000x16xf32, #tpu.memory_space<hbm>> -> memref<1568x16xf32, #tpu.memory_space<hbm>>
    tpu.enqueue_dma source(%dma_start3A_20 : memref<1568x16xf32, #tpu.memory_space<hbm>>) target(%arg7 : memref<1568x16xf32, #tpu.memory_space<vmem>>) target_semaphore(%arg10 : memref<!tpu.dma_semaphore, #tpu.memory_space<semaphore_mem>>)
    %add3A_21 = arith.constant 0 : i32
    %add3A_22 = arith.addi %mul3A_2, %add3A_21 : i32
    %run_scoped3A = arith.constant 0 : i32
    %run_scoped3A_23 = arith.constant 0 : i32
    %run_scoped3A_24 = arith.constant 0 : i32
    "tpu.region"() ({
      %run_scoped3A_173 = tpu.sem_alloc : memref<!tpu.dma_semaphore, #tpu.memory_space<semaphore_mem>>
      %dma_start3A_174 = arith.constant 0 : i32
      %dma_start3A_175 = tpu.memref_slice %arg5[%run_scoped3A_23, %run_scoped3A_24, %dma_start3A_174] : memref<3x2x1000xi32, #tpu.memory_space<vmem>> -> memref<1x1x1000xi32, #tpu.memory_space<vmem>>
      %dma_start3A_176 = tpu.memref_squeeze %dma_start3A_175 : memref<1x1x1000xi32, #tpu.memory_space<vmem>> -> memref<1000xi32, #tpu.memory_space<vmem>>
      %dma_start3A_177 = tpu.memref_slice %arg3[%run_scoped3A, %add3A_22] : memref<2x1600000xi32, #tpu.memory_space<hbm>> -> memref<1x1000xi32, #tpu.memory_space<hbm>>
      %dma_start3A_178 = tpu.memref_squeeze %dma_start3A_177 : memref<1x1000xi32, #tpu.memory_space<hbm>> -> memref<1000xi32, #tpu.memory_space<hbm>>
      %dma_start3A_179 = arith.constant 0 : i32
      %dma_start3A_180 = tpu.memref_slice %arg5[%run_scoped3A_23, %run_scoped3A_24, %dma_start3A_179] : memref<3x2x1000xi32, #tpu.memory_space<vmem>> -> memref<1x1x1000xi32, #tpu.memory_space<vmem>>
      %dma_start3A_181 = tpu.memref_squeeze %dma_start3A_180 : memref<1x1x1000xi32, #tpu.memory_space<vmem>> -> memref<1000xi32, #tpu.memory_space<vmem>>
      %dma_start3A_182 = tpu.memref_slice %arg3[%run_scoped3A, %add3A_22] : memref<2x1600000xi32, #tpu.memory_space<hbm>> -> memref<1x1000xi32, #tpu.memory_space<hbm>>
      %dma_start3A_183 = tpu.memref_squeeze %dma_start3A_182 : memref<1x1000xi32, #tpu.memory_space<hbm>> -> memref<1000xi32, #tpu.memory_space<hbm>>
      tpu.enqueue_dma source(%dma_start3A_183 : memref<1000xi32, #tpu.memory_space<hbm>>) target(%dma_start3A_181 : memref<1000xi32, #tpu.memory_space<vmem>>) target_semaphore(%run_scoped3A_173 : memref<!tpu.dma_semaphore, #tpu.memory_space<semaphore_mem>>)
      %dma_wait3A_184 = arith.constant 0 : i32
      %dma_wait3A_185 = tpu.memref_slice %arg5[%run_scoped3A_23, %run_scoped3A_24, %dma_wait3A_184] : memref<3x2x1000xi32, #tpu.memory_space<vmem>> -> memref<1x1x1000xi32, #tpu.memory_space<vmem>>
      %dma_wait3A_186 = tpu.memref_squeeze %dma_wait3A_185 : memref<1x1x1000xi32, #tpu.memory_space<vmem>> -> memref<1000xi32, #tpu.memory_space<vmem>>
      %dma_wait3A_187 = tpu.memref_slice %arg3[%run_scoped3A, %add3A_22] : memref<2x1600000xi32, #tpu.memory_space<hbm>> -> memref<1x1000xi32, #tpu.memory_space<hbm>>
      %dma_wait3A_188 = tpu.memref_squeeze %dma_wait3A_187 : memref<1x1000xi32, #tpu.memory_space<hbm>> -> memref<1000xi32, #tpu.memory_space<hbm>>
      %dma_wait3A_189 = arith.constant 0 : i32
      %dma_wait3A_190 = tpu.memref_slice %arg5[%run_scoped3A_23, %run_scoped3A_24, %dma_wait3A_189] : memref<3x2x1000xi32, #tpu.memory_space<vmem>> -> memref<1x1x1000xi32, #tpu.memory_space<vmem>>
      %dma_wait3A_191 = tpu.memref_squeeze %dma_wait3A_190 : memref<1x1x1000xi32, #tpu.memory_space<vmem>> -> memref<1000xi32, #tpu.memory_space<vmem>>
      %dma_wait3A_192 = tpu.memref_slice %arg3[%run_scoped3A, %add3A_22] : memref<2x1600000xi32, #tpu.memory_space<hbm>> -> memref<1x1000xi32, #tpu.memory_space<hbm>>
      %dma_wait3A_193 = tpu.memref_squeeze %dma_wait3A_192 : memref<1x1000xi32, #tpu.memory_space<hbm>> -> memref<1000xi32, #tpu.memory_space<hbm>>
      tpu.wait_dma2 semaphore(%run_scoped3A_173 : memref<!tpu.dma_semaphore, #tpu.memory_space<semaphore_mem>>) src(%dma_wait3A_193 : memref<1000xi32, #tpu.memory_space<hbm>>) dst(%dma_wait3A_191 : memref<1000xi32, #tpu.memory_space<vmem>>)
      tpu.yield
    }) : () -> ()
    %run_scoped3A_25 = arith.constant 1 : i32
    %run_scoped3A_26 = arith.constant 0 : i32
    %run_scoped3A_27 = arith.constant 1 : i32
    "tpu.region"() ({
      %run_scoped3A_173 = tpu.sem_alloc : memref<!tpu.dma_semaphore, #tpu.memory_space<semaphore_mem>>
      %dma_start3A_174 = arith.constant 0 : i32
      %dma_start3A_175 = tpu.memref_slice %arg5[%run_scoped3A_26, %run_scoped3A_27, %dma_start3A_174] : memref<3x2x1000xi32, #tpu.memory_space<vmem>> -> memref<1x1x1000xi32, #tpu.memory_space<vmem>>
      %dma_start3A_176 = tpu.memref_squeeze %dma_start3A_175 : memref<1x1x1000xi32, #tpu.memory_space<vmem>> -> memref<1000xi32, #tpu.memory_space<vmem>>
      %dma_start3A_177 = tpu.memref_slice %arg3[%run_scoped3A_25, %add3A_22] : memref<2x1600000xi32, #tpu.memory_space<hbm>> -> memref<1x1000xi32, #tpu.memory_space<hbm>>
      %dma_start3A_178 = tpu.memref_squeeze %dma_start3A_177 : memref<1x1000xi32, #tpu.memory_space<hbm>> -> memref<1000xi32, #tpu.memory_space<hbm>>
      %dma_start3A_179 = arith.constant 0 : i32
      %dma_start3A_180 = tpu.memref_slice %arg5[%run_scoped3A_26, %run_scoped3A_27, %dma_start3A_179] : memref<3x2x1000xi32, #tpu.memory_space<vmem>> -> memref<1x1x1000xi32, #tpu.memory_space<vmem>>
      %dma_start3A_181 = tpu.memref_squeeze %dma_start3A_180 : memref<1x1x1000xi32, #tpu.memory_space<vmem>> -> memref<1000xi32, #tpu.memory_space<vmem>>
      %dma_start3A_182 = tpu.memref_slice %arg3[%run_scoped3A_25, %add3A_22] : memref<2x1600000xi32, #tpu.memory_space<hbm>> -> memref<1x1000xi32, #tpu.memory_space<hbm>>
      %dma_start3A_183 = tpu.memref_squeeze %dma_start3A_182 : memref<1x1000xi32, #tpu.memory_space<hbm>> -> memref<1000xi32, #tpu.memory_space<hbm>>
      tpu.enqueue_dma source(%dma_start3A_183 : memref<1000xi32, #tpu.memory_space<hbm>>) target(%dma_start3A_181 : memref<1000xi32, #tpu.memory_space<vmem>>) target_semaphore(%run_scoped3A_173 : memref<!tpu.dma_semaphore, #tpu.memory_space<semaphore_mem>>)
      %dma_wait3A_184 = arith.constant 0 : i32
      %dma_wait3A_185 = tpu.memref_slice %arg5[%run_scoped3A_26, %run_scoped3A_27, %dma_wait3A_184] : memref<3x2x1000xi32, #tpu.memory_space<vmem>> -> memref<1x1x1000xi32, #tpu.memory_space<vmem>>
      %dma_wait3A_186 = tpu.memref_squeeze %dma_wait3A_185 : memref<1x1x1000xi32, #tpu.memory_space<vmem>> -> memref<1000xi32, #tpu.memory_space<vmem>>
      %dma_wait3A_187 = tpu.memref_slice %arg3[%run_scoped3A_25, %add3A_22] : memref<2x1600000xi32, #tpu.memory_space<hbm>> -> memref<1x1000xi32, #tpu.memory_space<hbm>>
      %dma_wait3A_188 = tpu.memref_squeeze %dma_wait3A_187 : memref<1x1000xi32, #tpu.memory_space<hbm>> -> memref<1000xi32, #tpu.memory_space<hbm>>
      %dma_wait3A_189 = arith.constant 0 : i32
      %dma_wait3A_190 = tpu.memref_slice %arg5[%run_scoped3A_26, %run_scoped3A_27, %dma_wait3A_189] : memref<3x2x1000xi32, #tpu.memory_space<vmem>> -> memref<1x1x1000xi32, #tpu.memory_space<vmem>>
      %dma_wait3A_191 = tpu.memref_squeeze %dma_wait3A_190 : memref<1x1x1000xi32, #tpu.memory_space<vmem>> -> memref<1000xi32, #tpu.memory_space<vmem>>
      %dma_wait3A_192 = tpu.memref_slice %arg3[%run_scoped3A_25, %add3A_22] : memref<2x1600000xi32, #tpu.memory_space<hbm>> -> memref<1x1000xi32, #tpu.memory_space<hbm>>
      %dma_wait3A_193 = tpu.memref_squeeze %dma_wait3A_192 : memref<1x1000xi32, #tpu.memory_space<hbm>> -> memref<1000xi32, #tpu.memory_space<hbm>>
      tpu.wait_dma2 semaphore(%run_scoped3A_173 : memref<!tpu.dma_semaphore, #tpu.memory_space<semaphore_mem>>) src(%dma_wait3A_193 : memref<1000xi32, #tpu.memory_space<hbm>>) dst(%dma_wait3A_191 : memref<1000xi32, #tpu.memory_space<vmem>>)
      tpu.yield
    }) : () -> ()
    %dma_start3A_28 = arith.constant 0 : i32
    %dma_start3A_29 = arith.constant 0 : i32
    %dma_start3A_30 = arith.constant 0 : i32
    %dma_start3A_31 = arith.constant 0 : i32
    %dma_start3A_32 = arith.constant 0 : i32
    %dma_start3A_33 = arith.constant 0 : i32
    %dma_start3A_34 = arith.constant 0 : i32
    %dma_start3A_35 = arith.constant 0 : i32
    %dma_start3A_36 = tpu.memref_slice %arg6[%dma_start3A_31, %dma_start3A_32, %dma_start3A_34, %dma_start3A_35] : memref<3x2x1000x16xf32, #tpu.memory_space<vmem>> -> memref<1x1x1000x16xf32, #tpu.memory_space<vmem>>
    %dma_start3A_37 = tpu.memref_squeeze %dma_start3A_36 : memref<1x1x1000x16xf32, #tpu.memory_space<vmem>> -> memref<1000x16xf32, #tpu.memory_space<vmem>>
    %dma_start3A_38 = arith.constant 0 : i32
    %dma_start3A_39 = tpu.memref_slice %arg5[%dma_start3A_29, %dma_start3A_30, %dma_start3A_38] : memref<3x2x1000xi32, #tpu.memory_space<vmem>> -> memref<1x1x1000xi32, #tpu.memory_space<vmem>>
    %dma_start3A_40 = tpu.memref_squeeze %dma_start3A_39 : memref<1x1x1000xi32, #tpu.memory_space<vmem>> -> memref<1000xi32, #tpu.memory_space<vmem>>
    %dma_start3A_41 = arith.constant 0 : i32
    %dma_start3A_42 = arith.constant 0 : i32
    %dma_start3A_43 = tpu.memref_slice %arg2[%dma_start3A_28, %dma_start3A_41, %dma_start3A_42] : memref<2x50000x16xf32, #tpu.memory_space<hbm>> -> memref<1x50000x16xf32, #tpu.memory_space<hbm>>
    %dma_start3A_44 = tpu.memref_squeeze %dma_start3A_43 : memref<1x50000x16xf32, #tpu.memory_space<hbm>> -> memref<50000x16xf32, #tpu.memory_space<hbm>>
    %dma_start3A_45 = arith.constant 0 : i32
    %dma_start3A_46 = arith.constant 0 : i32
    %dma_start3A_47 = tpu.memref_slice %dma_start3A_44[%dma_start3A_45, %dma_start3A_46] : memref<50000x16xf32, #tpu.memory_space<hbm>> -> memref<50000x16xf32, #tpu.memory_space<hbm>>
    %dma_start3A_48 = tpu.memref_slice %arg9[%dma_start3A_33] : memref<3x!tpu.dma_semaphore, #tpu.memory_space<semaphore_mem>> -> memref<1x!tpu.dma_semaphore, #tpu.memory_space<semaphore_mem>>
    %dma_start3A_49 = tpu.memref_squeeze %dma_start3A_48 : memref<1x!tpu.dma_semaphore, #tpu.memory_space<semaphore_mem>> -> memref<!tpu.dma_semaphore, #tpu.memory_space<semaphore_mem>>
    tpu.enqueue_indirect_dma source(%dma_start3A_47 : memref<50000x16xf32, #tpu.memory_space<hbm>>) target(%dma_start3A_37 : memref<1000x16xf32, #tpu.memory_space<vmem>>) offsets(%dma_start3A_40 : memref<1000xi32, #tpu.memory_space<vmem>>) semaphore(%dma_start3A_49 : memref<!tpu.dma_semaphore, #tpu.memory_space<semaphore_mem>>)
    %dma_start3A_50 = arith.constant 0 : i32
    %dma_start3A_51 = arith.constant 0 : i32
    %dma_start3A_52 = arith.constant 1 : i32
    %dma_start3A_53 = arith.constant 0 : i32
    %dma_start3A_54 = arith.constant 1 : i32
    %dma_start3A_55 = arith.constant 0 : i32
    %dma_start3A_56 = arith.constant 0 : i32
    %dma_start3A_57 = arith.constant 0 : i32
    %dma_start3A_58 = tpu.memref_slice %arg6[%dma_start3A_53, %dma_start3A_54, %dma_start3A_56, %dma_start3A_57] : memref<3x2x1000x16xf32, #tpu.memory_space<vmem>> -> memref<1x1x1000x16xf32, #tpu.memory_space<vmem>>
    %dma_start3A_59 = tpu.memref_squeeze %dma_start3A_58 : memref<1x1x1000x16xf32, #tpu.memory_space<vmem>> -> memref<1000x16xf32, #tpu.memory_space<vmem>>
    %dma_start3A_60 = arith.constant 0 : i32
    %dma_start3A_61 = tpu.memref_slice %arg5[%dma_start3A_51, %dma_start3A_52, %dma_start3A_60] : memref<3x2x1000xi32, #tpu.memory_space<vmem>> -> memref<1x1x1000xi32, #tpu.memory_space<vmem>>
    %dma_start3A_62 = tpu.memref_squeeze %dma_start3A_61 : memref<1x1x1000xi32, #tpu.memory_space<vmem>> -> memref<1000xi32, #tpu.memory_space<vmem>>
    %dma_start3A_63 = arith.constant 0 : i32
    %dma_start3A_64 = arith.constant 0 : i32
    %dma_start3A_65 = tpu.memref_slice %arg2[%dma_start3A_50, %dma_start3A_63, %dma_start3A_64] : memref<2x50000x16xf32, #tpu.memory_space<hbm>> -> memref<1x50000x16xf32, #tpu.memory_space<hbm>>
    %dma_start3A_66 = tpu.memref_squeeze %dma_start3A_65 : memref<1x50000x16xf32, #tpu.memory_space<hbm>> -> memref<50000x16xf32, #tpu.memory_space<hbm>>
    %dma_start3A_67 = arith.constant 0 : i32
    %dma_start3A_68 = arith.constant 0 : i32
    %dma_start3A_69 = tpu.memref_slice %dma_start3A_66[%dma_start3A_67, %dma_start3A_68] : memref<50000x16xf32, #tpu.memory_space<hbm>> -> memref<50000x16xf32, #tpu.memory_space<hbm>>
    %dma_start3A_70 = tpu.memref_slice %arg9[%dma_start3A_55] : memref<3x!tpu.dma_semaphore, #tpu.memory_space<semaphore_mem>> -> memref<1x!tpu.dma_semaphore, #tpu.memory_space<semaphore_mem>>
    %dma_start3A_71 = tpu.memref_squeeze %dma_start3A_70 : memref<1x!tpu.dma_semaphore, #tpu.memory_space<semaphore_mem>> -> memref<!tpu.dma_semaphore, #tpu.memory_space<semaphore_mem>>
    tpu.enqueue_indirect_dma source(%dma_start3A_69 : memref<50000x16xf32, #tpu.memory_space<hbm>>) target(%dma_start3A_59 : memref<1000x16xf32, #tpu.memory_space<vmem>>) offsets(%dma_start3A_62 : memref<1000xi32, #tpu.memory_space<vmem>>) semaphore(%dma_start3A_71 : memref<!tpu.dma_semaphore, #tpu.memory_space<semaphore_mem>>)
    %add3A_72 = arith.constant 1000 : i32
    %add3A_73 = arith.addi %mul3A_2, %add3A_72 : i32
    %run_scoped3A_74 = arith.constant 0 : i32
    %run_scoped3A_75 = arith.constant 1 : i32
    %run_scoped3A_76 = arith.constant 0 : i32
    "tpu.region"() ({
      %run_scoped3A_173 = tpu.sem_alloc : memref<!tpu.dma_semaphore, #tpu.memory_space<semaphore_mem>>
      %dma_start3A_174 = arith.constant 0 : i32
      %dma_start3A_175 = tpu.memref_slice %arg5[%run_scoped3A_75, %run_scoped3A_76, %dma_start3A_174] : memref<3x2x1000xi32, #tpu.memory_space<vmem>> -> memref<1x1x1000xi32, #tpu.memory_space<vmem>>
      %dma_start3A_176 = tpu.memref_squeeze %dma_start3A_175 : memref<1x1x1000xi32, #tpu.memory_space<vmem>> -> memref<1000xi32, #tpu.memory_space<vmem>>
      %dma_start3A_177 = tpu.memref_slice %arg3[%run_scoped3A_74, %add3A_73] : memref<2x1600000xi32, #tpu.memory_space<hbm>> -> memref<1x1000xi32, #tpu.memory_space<hbm>>
      %dma_start3A_178 = tpu.memref_squeeze %dma_start3A_177 : memref<1x1000xi32, #tpu.memory_space<hbm>> -> memref<1000xi32, #tpu.memory_space<hbm>>
      %dma_start3A_179 = arith.constant 0 : i32
      %dma_start3A_180 = tpu.memref_slice %arg5[%run_scoped3A_75, %run_scoped3A_76, %dma_start3A_179] : memref<3x2x1000xi32, #tpu.memory_space<vmem>> -> memref<1x1x1000xi32, #tpu.memory_space<vmem>>
      %dma_start3A_181 = tpu.memref_squeeze %dma_start3A_180 : memref<1x1x1000xi32, #tpu.memory_space<vmem>> -> memref<1000xi32, #tpu.memory_space<vmem>>
      %dma_start3A_182 = tpu.memref_slice %arg3[%run_scoped3A_74, %add3A_73] : memref<2x1600000xi32, #tpu.memory_space<hbm>> -> memref<1x1000xi32, #tpu.memory_space<hbm>>
      %dma_start3A_183 = tpu.memref_squeeze %dma_start3A_182 : memref<1x1000xi32, #tpu.memory_space<hbm>> -> memref<1000xi32, #tpu.memory_space<hbm>>
      tpu.enqueue_dma source(%dma_start3A_183 : memref<1000xi32, #tpu.memory_space<hbm>>) target(%dma_start3A_181 : memref<1000xi32, #tpu.memory_space<vmem>>) target_semaphore(%run_scoped3A_173 : memref<!tpu.dma_semaphore, #tpu.memory_space<semaphore_mem>>)
      %dma_wait3A_184 = arith.constant 0 : i32
      %dma_wait3A_185 = tpu.memref_slice %arg5[%run_scoped3A_75, %run_scoped3A_76, %dma_wait3A_184] : memref<3x2x1000xi32, #tpu.memory_space<vmem>> -> memref<1x1x1000xi32, #tpu.memory_space<vmem>>
      %dma_wait3A_186 = tpu.memref_squeeze %dma_wait3A_185 : memref<1x1x1000xi32, #tpu.memory_space<vmem>> -> memref<1000xi32, #tpu.memory_space<vmem>>
      %dma_wait3A_187 = tpu.memref_slice %arg3[%run_scoped3A_74, %add3A_73] : memref<2x1600000xi32, #tpu.memory_space<hbm>> -> memref<1x1000xi32, #tpu.memory_space<hbm>>
      %dma_wait3A_188 = tpu.memref_squeeze %dma_wait3A_187 : memref<1x1000xi32, #tpu.memory_space<hbm>> -> memref<1000xi32, #tpu.memory_space<hbm>>
      %dma_wait3A_189 = arith.constant 0 : i32
      %dma_wait3A_190 = tpu.memref_slice %arg5[%run_scoped3A_75, %run_scoped3A_76, %dma_wait3A_189] : memref<3x2x1000xi32, #tpu.memory_space<vmem>> -> memref<1x1x1000xi32, #tpu.memory_space<vmem>>
      %dma_wait3A_191 = tpu.memref_squeeze %dma_wait3A_190 : memref<1x1x1000xi32, #tpu.memory_space<vmem>> -> memref<1000xi32, #tpu.memory_space<vmem>>
      %dma_wait3A_192 = tpu.memref_slice %arg3[%run_scoped3A_74, %add3A_73] : memref<2x1600000xi32, #tpu.memory_space<hbm>> -> memref<1x1000xi32, #tpu.memory_space<hbm>>
      %dma_wait3A_193 = tpu.memref_squeeze %dma_wait3A_192 : memref<1x1000xi32, #tpu.memory_space<hbm>> -> memref<1000xi32, #tpu.memory_space<hbm>>
      tpu.wait_dma2 semaphore(%run_scoped3A_173 : memref<!tpu.dma_semaphore, #tpu.memory_space<semaphore_mem>>) src(%dma_wait3A_193 : memref<1000xi32, #tpu.memory_space<hbm>>) dst(%dma_wait3A_191 : memref<1000xi32, #tpu.memory_space<vmem>>)
      tpu.yield
    }) : () -> ()
    %run_scoped3A_77 = arith.constant 1 : i32
    %run_scoped3A_78 = arith.constant 1 : i32
    %run_scoped3A_79 = arith.constant 1 : i32
    "tpu.region"() ({
      %run_scoped3A_173 = tpu.sem_alloc : memref<!tpu.dma_semaphore, #tpu.memory_space<semaphore_mem>>
      %dma_start3A_174 = arith.constant 0 : i32
      %dma_start3A_175 = tpu.memref_slice %arg5[%run_scoped3A_78, %run_scoped3A_79, %dma_start3A_174] : memref<3x2x1000xi32, #tpu.memory_space<vmem>> -> memref<1x1x1000xi32, #tpu.memory_space<vmem>>
      %dma_start3A_176 = tpu.memref_squeeze %dma_start3A_175 : memref<1x1x1000xi32, #tpu.memory_space<vmem>> -> memref<1000xi32, #tpu.memory_space<vmem>>
      %dma_start3A_177 = tpu.memref_slice %arg3[%run_scoped3A_77, %add3A_73] : memref<2x1600000xi32, #tpu.memory_space<hbm>> -> memref<1x1000xi32, #tpu.memory_space<hbm>>
      %dma_start3A_178 = tpu.memref_squeeze %dma_start3A_177 : memref<1x1000xi32, #tpu.memory_space<hbm>> -> memref<1000xi32, #tpu.memory_space<hbm>>
      %dma_start3A_179 = arith.constant 0 : i32
      %dma_start3A_180 = tpu.memref_slice %arg5[%run_scoped3A_78, %run_scoped3A_79, %dma_start3A_179] : memref<3x2x1000xi32, #tpu.memory_space<vmem>> -> memref<1x1x1000xi32, #tpu.memory_space<vmem>>
      %dma_start3A_181 = tpu.memref_squeeze %dma_start3A_180 : memref<1x1x1000xi32, #tpu.memory_space<vmem>> -> memref<1000xi32, #tpu.memory_space<vmem>>
      %dma_start3A_182 = tpu.memref_slice %arg3[%run_scoped3A_77, %add3A_73] : memref<2x1600000xi32, #tpu.memory_space<hbm>> -> memref<1x1000xi32, #tpu.memory_space<hbm>>
      %dma_start3A_183 = tpu.memref_squeeze %dma_start3A_182 : memref<1x1000xi32, #tpu.memory_space<hbm>> -> memref<1000xi32, #tpu.memory_space<hbm>>
      tpu.enqueue_dma source(%dma_start3A_183 : memref<1000xi32, #tpu.memory_space<hbm>>) target(%dma_start3A_181 : memref<1000xi32, #tpu.memory_space<vmem>>) target_semaphore(%run_scoped3A_173 : memref<!tpu.dma_semaphore, #tpu.memory_space<semaphore_mem>>)
      %dma_wait3A_184 = arith.constant 0 : i32
      %dma_wait3A_185 = tpu.memref_slice %arg5[%run_scoped3A_78, %run_scoped3A_79, %dma_wait3A_184] : memref<3x2x1000xi32, #tpu.memory_space<vmem>> -> memref<1x1x1000xi32, #tpu.memory_space<vmem>>
      %dma_wait3A_186 = tpu.memref_squeeze %dma_wait3A_185 : memref<1x1x1000xi32, #tpu.memory_space<vmem>> -> memref<1000xi32, #tpu.memory_space<vmem>>
      %dma_wait3A_187 = tpu.memref_slice %arg3[%run_scoped3A_77, %add3A_73] : memref<2x1600000xi32, #tpu.memory_space<hbm>> -> memref<1x1000xi32, #tpu.memory_space<hbm>>
      %dma_wait3A_188 = tpu.memref_squeeze %dma_wait3A_187 : memref<1x1000xi32, #tpu.memory_space<hbm>> -> memref<1000xi32, #tpu.memory_space<hbm>>
      %dma_wait3A_189 = arith.constant 0 : i32
      %dma_wait3A_190 = tpu.memref_slice %arg5[%run_scoped3A_78, %run_scoped3A_79, %dma_wait3A_189] : memref<3x2x1000xi32, #tpu.memory_space<vmem>> -> memref<1x1x1000xi32, #tpu.memory_space<vmem>>
      %dma_wait3A_191 = tpu.memref_squeeze %dma_wait3A_190 : memref<1x1x1000xi32, #tpu.memory_space<vmem>> -> memref<1000xi32, #tpu.memory_space<vmem>>
      %dma_wait3A_192 = tpu.memref_slice %arg3[%run_scoped3A_77, %add3A_73] : memref<2x1600000xi32, #tpu.memory_space<hbm>> -> memref<1x1000xi32, #tpu.memory_space<hbm>>
      %dma_wait3A_193 = tpu.memref_squeeze %dma_wait3A_192 : memref<1x1000xi32, #tpu.memory_space<hbm>> -> memref<1000xi32, #tpu.memory_space<hbm>>
      tpu.wait_dma2 semaphore(%run_scoped3A_173 : memref<!tpu.dma_semaphore, #tpu.memory_space<semaphore_mem>>) src(%dma_wait3A_193 : memref<1000xi32, #tpu.memory_space<hbm>>) dst(%dma_wait3A_191 : memref<1000xi32, #tpu.memory_space<vmem>>)
      tpu.yield
    }) : () -> ()
    %dma_start3A_80 = arith.constant 0 : i32
    %dma_start3A_81 = arith.constant 1 : i32
    %dma_start3A_82 = arith.constant 0 : i32
    %dma_start3A_83 = arith.constant 1 : i32
    %dma_start3A_84 = arith.constant 0 : i32
    %dma_start3A_85 = arith.constant 1 : i32
    %dma_start3A_86 = arith.constant 0 : i32
    %dma_start3A_87 = arith.constant 0 : i32
    %dma_start3A_88 = tpu.memref_slice %arg6[%dma_start3A_83, %dma_start3A_84, %dma_start3A_86, %dma_start3A_87] : memref<3x2x1000x16xf32, #tpu.memory_space<vmem>> -> memref<1x1x1000x16xf32, #tpu.memory_space<vmem>>
    %dma_start3A_89 = tpu.memref_squeeze %dma_start3A_88 : memref<1x1x1000x16xf32, #tpu.memory_space<vmem>> -> memref<1000x16xf32, #tpu.memory_space<vmem>>
    %dma_start3A_90 = arith.constant 0 : i32
    %dma_start3A_91 = tpu.memref_slice %arg5[%dma_start3A_81, %dma_start3A_82, %dma_start3A_90] : memref<3x2x1000xi32, #tpu.memory_space<vmem>> -> memref<1x1x1000xi32, #tpu.memory_space<vmem>>
    %dma_start3A_92 = tpu.memref_squeeze %dma_start3A_91 : memref<1x1x1000xi32, #tpu.memory_space<vmem>> -> memref<1000xi32, #tpu.memory_space<vmem>>
    %dma_start3A_93 = arith.constant 0 : i32
    %dma_start3A_94 = arith.constant 0 : i32
    %dma_start3A_95 = tpu.memref_slice %arg2[%dma_start3A_80, %dma_start3A_93, %dma_start3A_94] : memref<2x50000x16xf32, #tpu.memory_space<hbm>> -> memref<1x50000x16xf32, #tpu.memory_space<hbm>>
    %dma_start3A_96 = tpu.memref_squeeze %dma_start3A_95 : memref<1x50000x16xf32, #tpu.memory_space<hbm>> -> memref<50000x16xf32, #tpu.memory_space<hbm>>
    %dma_start3A_97 = arith.constant 0 : i32
    %dma_start3A_98 = arith.constant 0 : i32
    %dma_start3A_99 = tpu.memref_slice %dma_start3A_96[%dma_start3A_97, %dma_start3A_98] : memref<50000x16xf32, #tpu.memory_space<hbm>> -> memref<50000x16xf32, #tpu.memory_space<hbm>>
    %dma_start3A_100 = tpu.memref_slice %arg9[%dma_start3A_85] : memref<3x!tpu.dma_semaphore, #tpu.memory_space<semaphore_mem>> -> memref<1x!tpu.dma_semaphore, #tpu.memory_space<semaphore_mem>>
    %dma_start3A_101 = tpu.memref_squeeze %dma_start3A_100 : memref<1x!tpu.dma_semaphore, #tpu.memory_space<semaphore_mem>> -> memref<!tpu.dma_semaphore, #tpu.memory_space<semaphore_mem>>
    tpu.enqueue_indirect_dma source(%dma_start3A_99 : memref<50000x16xf32, #tpu.memory_space<hbm>>) target(%dma_start3A_89 : memref<1000x16xf32, #tpu.memory_space<vmem>>) offsets(%dma_start3A_92 : memref<1000xi32, #tpu.memory_space<vmem>>) semaphore(%dma_start3A_101 : memref<!tpu.dma_semaphore, #tpu.memory_space<semaphore_mem>>)
    %dma_start3A_102 = arith.constant 0 : i32
    %dma_start3A_103 = arith.constant 1 : i32
    %dma_start3A_104 = arith.constant 1 : i32
    %dma_start3A_105 = arith.constant 1 : i32
    %dma_start3A_106 = arith.constant 1 : i32
    %dma_start3A_107 = arith.constant 1 : i32
    %dma_start3A_108 = arith.constant 0 : i32
    %dma_start3A_109 = arith.constant 0 : i32
    %dma_start3A_110 = tpu.memref_slice %arg6[%dma_start3A_105, %dma_start3A_106, %dma_start3A_108, %dma_start3A_109] : memref<3x2x1000x16xf32, #tpu.memory_space<vmem>> -> memref<1x1x1000x16xf32, #tpu.memory_space<vmem>>
    %dma_start3A_111 = tpu.memref_squeeze %dma_start3A_110 : memref<1x1x1000x16xf32, #tpu.memory_space<vmem>> -> memref<1000x16xf32, #tpu.memory_space<vmem>>
    %dma_start3A_112 = arith.constant 0 : i32
    %dma_start3A_113 = tpu.memref_slice %arg5[%dma_start3A_103, %dma_start3A_104, %dma_start3A_112] : memref<3x2x1000xi32, #tpu.memory_space<vmem>> -> memref<1x1x1000xi32, #tpu.memory_space<vmem>>
    %dma_start3A_114 = tpu.memref_squeeze %dma_start3A_113 : memref<1x1x1000xi32, #tpu.memory_space<vmem>> -> memref<1000xi32, #tpu.memory_space<vmem>>
    %dma_start3A_115 = arith.constant 0 : i32
    %dma_start3A_116 = arith.constant 0 : i32
    %dma_start3A_117 = tpu.memref_slice %arg2[%dma_start3A_102, %dma_start3A_115, %dma_start3A_116] : memref<2x50000x16xf32, #tpu.memory_space<hbm>> -> memref<1x50000x16xf32, #tpu.memory_space<hbm>>
    %dma_start3A_118 = tpu.memref_squeeze %dma_start3A_117 : memref<1x50000x16xf32, #tpu.memory_space<hbm>> -> memref<50000x16xf32, #tpu.memory_space<hbm>>
    %dma_start3A_119 = arith.constant 0 : i32
    %dma_start3A_120 = arith.constant 0 : i32
    %dma_start3A_121 = tpu.memref_slice %dma_start3A_118[%dma_start3A_119, %dma_start3A_120] : memref<50000x16xf32, #tpu.memory_space<hbm>> -> memref<50000x16xf32, #tpu.memory_space<hbm>>
    %dma_start3A_122 = tpu.memref_slice %arg9[%dma_start3A_107] : memref<3x!tpu.dma_semaphore, #tpu.memory_space<semaphore_mem>> -> memref<1x!tpu.dma_semaphore, #tpu.memory_space<semaphore_mem>>
    %dma_start3A_123 = tpu.memref_squeeze %dma_start3A_122 : memref<1x!tpu.dma_semaphore, #tpu.memory_space<semaphore_mem>> -> memref<!tpu.dma_semaphore, #tpu.memory_space<semaphore_mem>>
    tpu.enqueue_indirect_dma source(%dma_start3A_121 : memref<50000x16xf32, #tpu.memory_space<hbm>>) target(%dma_start3A_111 : memref<1000x16xf32, #tpu.memory_space<vmem>>) offsets(%dma_start3A_114 : memref<1000xi32, #tpu.memory_space<vmem>>) semaphore(%dma_start3A_123 : memref<!tpu.dma_semaphore, #tpu.memory_space<semaphore_mem>>)
    %scan3A = arith.constant 0 : i32
    %scan3A_124 = arith.constant 0 : i32
    %scan3A_125 = arith.constant 50 : i32
    %scan3A_126 = arith.addi %scan3A_124, %scan3A_125 : i32
    %scan3A_127 = arith.constant 1 : i32
    %scan3A_128 = scf.for %scan3A_173 = %scan3A_124 to %scan3A_126 step %scan3A_127 iter_args(%scan3A_174 = %broadcast_in_dim3A_3) -> (vector<16xf32>)  : i32 {
      %rem3A_175 = arith.constant 3 : i32
      %rem3A_176 = arith.remsi %scan3A_173, %rem3A_175 : i32
      %add3A_177 = arith.constant 2 : i32
      %add3A_178 = arith.addi %scan3A_173, %add3A_177 : i32
      %lt3A = arith.constant 50 : i32
      %lt3A_179 = arith.cmpi slt, %add3A_178, %lt3A : i32
      %convert_element_type3A = arith.extui %lt3A_179 : i1 to i32
      %cond3A = arith.constant 0 : i32
      %cond3A_180 = arith.cmpi ne, %convert_element_type3A, %cond3A : i32
      scf.if %cond3A_180 {
        %add3A_225 = arith.constant 2 : i32
        %add3A_226 = arith.addi %scan3A_173, %add3A_225 : i32
        %add3A_227 = arith.constant 2 : i32
        %add3A_228 = arith.addi %scan3A_173, %add3A_227 : i32
        %rem3A_229 = arith.constant 3 : i32
        %rem3A_230 = arith.remsi %add3A_228, %rem3A_229 : i32
        %mul3A_231 = arith.constant 1000 : i32
        %mul3A_232 = arith.muli %add3A_226, %mul3A_231 : i32
        %add3A_233 = arith.addi %mul3A_2, %mul3A_232 : i32
        %run_scoped3A_234 = arith.constant 0 : i32
        %run_scoped3A_235 = arith.constant 0 : i32
        "tpu.region"() ({
          %run_scoped3A_274 = tpu.sem_alloc : memref<!tpu.dma_semaphore, #tpu.memory_space<semaphore_mem>>
          %dma_start3A_275 = arith.constant 0 : i32
          %dma_start3A_276 = tpu.memref_slice %arg5[%rem3A_230, %run_scoped3A_235, %dma_start3A_275] : memref<3x2x1000xi32, #tpu.memory_space<vmem>> -> memref<1x1x1000xi32, #tpu.memory_space<vmem>>
          %dma_start3A_277 = tpu.memref_squeeze %dma_start3A_276 : memref<1x1x1000xi32, #tpu.memory_space<vmem>> -> memref<1000xi32, #tpu.memory_space<vmem>>
          %dma_start3A_278 = tpu.memref_slice %arg3[%run_scoped3A_234, %add3A_233] : memref<2x1600000xi32, #tpu.memory_space<hbm>> -> memref<1x1000xi32, #tpu.memory_space<hbm>>
          %dma_start3A_279 = tpu.memref_squeeze %dma_start3A_278 : memref<1x1000xi32, #tpu.memory_space<hbm>> -> memref<1000xi32, #tpu.memory_space<hbm>>
          %dma_start3A_280 = arith.constant 0 : i32
          %dma_start3A_281 = tpu.memref_slice %arg5[%rem3A_230, %run_scoped3A_235, %dma_start3A_280] : memref<3x2x1000xi32, #tpu.memory_space<vmem>> -> memref<1x1x1000xi32, #tpu.memory_space<vmem>>
          %dma_start3A_282 = tpu.memref_squeeze %dma_start3A_281 : memref<1x1x1000xi32, #tpu.memory_space<vmem>> -> memref<1000xi32, #tpu.memory_space<vmem>>
          %dma_start3A_283 = tpu.memref_slice %arg3[%run_scoped3A_234, %add3A_233] : memref<2x1600000xi32, #tpu.memory_space<hbm>> -> memref<1x1000xi32, #tpu.memory_space<hbm>>
          %dma_start3A_284 = tpu.memref_squeeze %dma_start3A_283 : memref<1x1000xi32, #tpu.memory_space<hbm>> -> memref<1000xi32, #tpu.memory_space<hbm>>
          tpu.enqueue_dma source(%dma_start3A_284 : memref<1000xi32, #tpu.memory_space<hbm>>) target(%dma_start3A_282 : memref<1000xi32, #tpu.memory_space<vmem>>) target_semaphore(%run_scoped3A_274 : memref<!tpu.dma_semaphore, #tpu.memory_space<semaphore_mem>>)
          %dma_wait3A_285 = arith.constant 0 : i32
          %dma_wait3A_286 = tpu.memref_slice %arg5[%rem3A_230, %run_scoped3A_235, %dma_wait3A_285] : memref<3x2x1000xi32, #tpu.memory_space<vmem>> -> memref<1x1x1000xi32, #tpu.memory_space<vmem>>
          %dma_wait3A_287 = tpu.memref_squeeze %dma_wait3A_286 : memref<1x1x1000xi32, #tpu.memory_space<vmem>> -> memref<1000xi32, #tpu.memory_space<vmem>>
          %dma_wait3A_288 = tpu.memref_slice %arg3[%run_scoped3A_234, %add3A_233] : memref<2x1600000xi32, #tpu.memory_space<hbm>> -> memref<1x1000xi32, #tpu.memory_space<hbm>>
          %dma_wait3A_289 = tpu.memref_squeeze %dma_wait3A_288 : memref<1x1000xi32, #tpu.memory_space<hbm>> -> memref<1000xi32, #tpu.memory_space<hbm>>
          %dma_wait3A_290 = arith.constant 0 : i32
          %dma_wait3A_291 = tpu.memref_slice %arg5[%rem3A_230, %run_scoped3A_235, %dma_wait3A_290] : memref<3x2x1000xi32, #tpu.memory_space<vmem>> -> memref<1x1x1000xi32, #tpu.memory_space<vmem>>
          %dma_wait3A_292 = tpu.memref_squeeze %dma_wait3A_291 : memref<1x1x1000xi32, #tpu.memory_space<vmem>> -> memref<1000xi32, #tpu.memory_space<vmem>>
          %dma_wait3A_293 = tpu.memref_slice %arg3[%run_scoped3A_234, %add3A_233] : memref<2x1600000xi32, #tpu.memory_space<hbm>> -> memref<1x1000xi32, #tpu.memory_space<hbm>>
          %dma_wait3A_294 = tpu.memref_squeeze %dma_wait3A_293 : memref<1x1000xi32, #tpu.memory_space<hbm>> -> memref<1000xi32, #tpu.memory_space<hbm>>
          tpu.wait_dma2 semaphore(%run_scoped3A_274 : memref<!tpu.dma_semaphore, #tpu.memory_space<semaphore_mem>>) src(%dma_wait3A_294 : memref<1000xi32, #tpu.memory_space<hbm>>) dst(%dma_wait3A_292 : memref<1000xi32, #tpu.memory_space<vmem>>)
          tpu.yield
        }) : () -> ()
        %run_scoped3A_236 = arith.constant 1 : i32
        %run_scoped3A_237 = arith.constant 1 : i32
        "tpu.region"() ({
          %run_scoped3A_274 = tpu.sem_alloc : memref<!tpu.dma_semaphore, #tpu.memory_space<semaphore_mem>>
          %dma_start3A_275 = arith.constant 0 : i32
          %dma_start3A_276 = tpu.memref_slice %arg5[%rem3A_230, %run_scoped3A_237, %dma_start3A_275] : memref<3x2x1000xi32, #tpu.memory_space<vmem>> -> memref<1x1x1000xi32, #tpu.memory_space<vmem>>
          %dma_start3A_277 = tpu.memref_squeeze %dma_start3A_276 : memref<1x1x1000xi32, #tpu.memory_space<vmem>> -> memref<1000xi32, #tpu.memory_space<vmem>>
          %dma_start3A_278 = tpu.memref_slice %arg3[%run_scoped3A_236, %add3A_233] : memref<2x1600000xi32, #tpu.memory_space<hbm>> -> memref<1x1000xi32, #tpu.memory_space<hbm>>
          %dma_start3A_279 = tpu.memref_squeeze %dma_start3A_278 : memref<1x1000xi32, #tpu.memory_space<hbm>> -> memref<1000xi32, #tpu.memory_space<hbm>>
          %dma_start3A_280 = arith.constant 0 : i32
          %dma_start3A_281 = tpu.memref_slice %arg5[%rem3A_230, %run_scoped3A_237, %dma_start3A_280] : memref<3x2x1000xi32, #tpu.memory_space<vmem>> -> memref<1x1x1000xi32, #tpu.memory_space<vmem>>
          %dma_start3A_282 = tpu.memref_squeeze %dma_start3A_281 : memref<1x1x1000xi32, #tpu.memory_space<vmem>> -> memref<1000xi32, #tpu.memory_space<vmem>>
          %dma_start3A_283 = tpu.memref_slice %arg3[%run_scoped3A_236, %add3A_233] : memref<2x1600000xi32, #tpu.memory_space<hbm>> -> memref<1x1000xi32, #tpu.memory_space<hbm>>
          %dma_start3A_284 = tpu.memref_squeeze %dma_start3A_283 : memref<1x1000xi32, #tpu.memory_space<hbm>> -> memref<1000xi32, #tpu.memory_space<hbm>>
          tpu.enqueue_dma source(%dma_start3A_284 : memref<1000xi32, #tpu.memory_space<hbm>>) target(%dma_start3A_282 : memref<1000xi32, #tpu.memory_space<vmem>>) target_semaphore(%run_scoped3A_274 : memref<!tpu.dma_semaphore, #tpu.memory_space<semaphore_mem>>)
          %dma_wait3A_285 = arith.constant 0 : i32
          %dma_wait3A_286 = tpu.memref_slice %arg5[%rem3A_230, %run_scoped3A_237, %dma_wait3A_285] : memref<3x2x1000xi32, #tpu.memory_space<vmem>> -> memref<1x1x1000xi32, #tpu.memory_space<vmem>>
          %dma_wait3A_287 = tpu.memref_squeeze %dma_wait3A_286 : memref<1x1x1000xi32, #tpu.memory_space<vmem>> -> memref<1000xi32, #tpu.memory_space<vmem>>
          %dma_wait3A_288 = tpu.memref_slice %arg3[%run_scoped3A_236, %add3A_233] : memref<2x1600000xi32, #tpu.memory_space<hbm>> -> memref<1x1000xi32, #tpu.memory_space<hbm>>
          %dma_wait3A_289 = tpu.memref_squeeze %dma_wait3A_288 : memref<1x1000xi32, #tpu.memory_space<hbm>> -> memref<1000xi32, #tpu.memory_space<hbm>>
          %dma_wait3A_290 = arith.constant 0 : i32
          %dma_wait3A_291 = tpu.memref_slice %arg5[%rem3A_230, %run_scoped3A_237, %dma_wait3A_290] : memref<3x2x1000xi32, #tpu.memory_space<vmem>> -> memref<1x1x1000xi32, #tpu.memory_space<vmem>>
          %dma_wait3A_292 = tpu.memref_squeeze %dma_wait3A_291 : memref<1x1x1000xi32, #tpu.memory_space<vmem>> -> memref<1000xi32, #tpu.memory_space<vmem>>
          %dma_wait3A_293 = tpu.memref_slice %arg3[%run_scoped3A_236, %add3A_233] : memref<2x1600000xi32, #tpu.memory_space<hbm>> -> memref<1x1000xi32, #tpu.memory_space<hbm>>
          %dma_wait3A_294 = tpu.memref_squeeze %dma_wait3A_293 : memref<1x1000xi32, #tpu.memory_space<hbm>> -> memref<1000xi32, #tpu.memory_space<hbm>>
          tpu.wait_dma2 semaphore(%run_scoped3A_274 : memref<!tpu.dma_semaphore, #tpu.memory_space<semaphore_mem>>) src(%dma_wait3A_294 : memref<1000xi32, #tpu.memory_space<hbm>>) dst(%dma_wait3A_292 : memref<1000xi32, #tpu.memory_space<vmem>>)
          tpu.yield
        }) : () -> ()
        %dma_start3A_238 = arith.constant 0 : i32
        %dma_start3A_239 = arith.constant 0 : i32
        %dma_start3A_240 = arith.constant 0 : i32
        %dma_start3A_241 = arith.constant 0 : i32
        %dma_start3A_242 = tpu.memref_slice %arg6[%rem3A_230, %dma_start3A_239, %dma_start3A_240, %dma_start3A_241] : memref<3x2x1000x16xf32, #tpu.memory_space<vmem>> -> memref<1x1x1000x16xf32, #tpu.memory_space<vmem>>
        %dma_start3A_243 = tpu.memref_squeeze %dma_start3A_242 : memref<1x1x1000x16xf32, #tpu.memory_space<vmem>> -> memref<1000x16xf32, #tpu.memory_space<vmem>>
        %dma_start3A_244 = arith.constant 0 : i32
        %dma_start3A_245 = tpu.memref_slice %arg5[%rem3A_230, %dma_start3A_238, %dma_start3A_244] : memref<3x2x1000xi32, #tpu.memory_space<vmem>> -> memref<1x1x1000xi32, #tpu.memory_space<vmem>>
        %dma_start3A_246 = tpu.memref_squeeze %dma_start3A_245 : memref<1x1x1000xi32, #tpu.memory_space<vmem>> -> memref<1000xi32, #tpu.memory_space<vmem>>
        %dma_start3A_247 = arith.constant 0 : i32
        %dma_start3A_248 = arith.constant 0 : i32
        %dma_start3A_249 = tpu.memref_slice %arg2[%scan3A, %dma_start3A_247, %dma_start3A_248] : memref<2x50000x16xf32, #tpu.memory_space<hbm>> -> memref<1x50000x16xf32, #tpu.memory_space<hbm>>
        %dma_start3A_250 = tpu.memref_squeeze %dma_start3A_249 : memref<1x50000x16xf32, #tpu.memory_space<hbm>> -> memref<50000x16xf32, #tpu.memory_space<hbm>>
        %dma_start3A_251 = arith.constant 0 : i32
        %dma_start3A_252 = arith.constant 0 : i32
        %dma_start3A_253 = tpu.memref_slice %dma_start3A_250[%dma_start3A_251, %dma_start3A_252] : memref<50000x16xf32, #tpu.memory_space<hbm>> -> memref<50000x16xf32, #tpu.memory_space<hbm>>
        %dma_start3A_254 = tpu.memref_slice %arg9[%rem3A_230] : memref<3x!tpu.dma_semaphore, #tpu.memory_space<semaphore_mem>> -> memref<1x!tpu.dma_semaphore, #tpu.memory_space<semaphore_mem>>
        %dma_start3A_255 = tpu.memref_squeeze %dma_start3A_254 : memref<1x!tpu.dma_semaphore, #tpu.memory_space<semaphore_mem>> -> memref<!tpu.dma_semaphore, #tpu.memory_space<semaphore_mem>>
        tpu.enqueue_indirect_dma source(%dma_start3A_253 : memref<50000x16xf32, #tpu.memory_space<hbm>>) target(%dma_start3A_243 : memref<1000x16xf32, #tpu.memory_space<vmem>>) offsets(%dma_start3A_246 : memref<1000xi32, #tpu.memory_space<vmem>>) semaphore(%dma_start3A_255 : memref<!tpu.dma_semaphore, #tpu.memory_space<semaphore_mem>>)
        %dma_start3A_256 = arith.constant 1 : i32
        %dma_start3A_257 = arith.constant 1 : i32
        %dma_start3A_258 = arith.constant 0 : i32
        %dma_start3A_259 = arith.constant 0 : i32
        %dma_start3A_260 = tpu.memref_slice %arg6[%rem3A_230, %dma_start3A_257, %dma_start3A_258, %dma_start3A_259] : memref<3x2x1000x16xf32, #tpu.memory_space<vmem>> -> memref<1x1x1000x16xf32, #tpu.memory_space<vmem>>
        %dma_start3A_261 = tpu.memref_squeeze %dma_start3A_260 : memref<1x1x1000x16xf32, #tpu.memory_space<vmem>> -> memref<1000x16xf32, #tpu.memory_space<vmem>>
        %dma_start3A_262 = arith.constant 0 : i32
        %dma_start3A_263 = tpu.memref_slice %arg5[%rem3A_230, %dma_start3A_256, %dma_start3A_262] : memref<3x2x1000xi32, #tpu.memory_space<vmem>> -> memref<1x1x1000xi32, #tpu.memory_space<vmem>>
        %dma_start3A_264 = tpu.memref_squeeze %dma_start3A_263 : memref<1x1x1000xi32, #tpu.memory_space<vmem>> -> memref<1000xi32, #tpu.memory_space<vmem>>
        %dma_start3A_265 = arith.constant 0 : i32
        %dma_start3A_266 = arith.constant 0 : i32
        %dma_start3A_267 = tpu.memref_slice %arg2[%scan3A, %dma_start3A_265, %dma_start3A_266] : memref<2x50000x16xf32, #tpu.memory_space<hbm>> -> memref<1x50000x16xf32, #tpu.memory_space<hbm>>
        %dma_start3A_268 = tpu.memref_squeeze %dma_start3A_267 : memref<1x50000x16xf32, #tpu.memory_space<hbm>> -> memref<50000x16xf32, #tpu.memory_space<hbm>>
        %dma_start3A_269 = arith.constant 0 : i32
        %dma_start3A_270 = arith.constant 0 : i32
        %dma_start3A_271 = tpu.memref_slice %dma_start3A_268[%dma_start3A_269, %dma_start3A_270] : memref<50000x16xf32, #tpu.memory_space<hbm>> -> memref<50000x16xf32, #tpu.memory_space<hbm>>
        %dma_start3A_272 = tpu.memref_slice %arg9[%rem3A_230] : memref<3x!tpu.dma_semaphore, #tpu.memory_space<semaphore_mem>> -> memref<1x!tpu.dma_semaphore, #tpu.memory_space<semaphore_mem>>
        %dma_start3A_273 = tpu.memref_squeeze %dma_start3A_272 : memref<1x!tpu.dma_semaphore, #tpu.memory_space<semaphore_mem>> -> memref<!tpu.dma_semaphore, #tpu.memory_space<semaphore_mem>>
        tpu.enqueue_indirect_dma source(%dma_start3A_271 : memref<50000x16xf32, #tpu.memory_space<hbm>>) target(%dma_start3A_261 : memref<1000x16xf32, #tpu.memory_space<vmem>>) offsets(%dma_start3A_264 : memref<1000xi32, #tpu.memory_space<vmem>>) semaphore(%dma_start3A_273 : memref<!tpu.dma_semaphore, #tpu.memory_space<semaphore_mem>>)
      } else {
      }
      %dma_wait3A_181 = arith.constant 0 : i32
      %dma_wait3A_182 = arith.constant 0 : i32
      %dma_wait3A_183 = arith.constant 0 : i32
      %dma_wait3A_184 = arith.constant 0 : i32
      %dma_wait3A_185 = tpu.memref_slice %arg6[%rem3A_176, %dma_wait3A_182, %dma_wait3A_183, %dma_wait3A_184] : memref<3x2x1000x16xf32, #tpu.memory_space<vmem>> -> memref<1x1x1000x16xf32, #tpu.memory_space<vmem>>
      %dma_wait3A_186 = tpu.memref_squeeze %dma_wait3A_185 : memref<1x1x1000x16xf32, #tpu.memory_space<vmem>> -> memref<1000x16xf32, #tpu.memory_space<vmem>>
      %dma_wait3A_187 = arith.constant 0 : i32
      %dma_wait3A_188 = tpu.memref_slice %arg5[%rem3A_176, %dma_wait3A_181, %dma_wait3A_187] : memref<3x2x1000xi32, #tpu.memory_space<vmem>> -> memref<1x1x1000xi32, #tpu.memory_space<vmem>>
      %dma_wait3A_189 = tpu.memref_squeeze %dma_wait3A_188 : memref<1x1x1000xi32, #tpu.memory_space<vmem>> -> memref<1000xi32, #tpu.memory_space<vmem>>
      %dma_wait3A_190 = arith.constant 0 : i32
      %dma_wait3A_191 = arith.constant 0 : i32
      %dma_wait3A_192 = tpu.memref_slice %arg2[%scan3A, %dma_wait3A_190, %dma_wait3A_191] : memref<2x50000x16xf32, #tpu.memory_space<hbm>> -> memref<1x50000x16xf32, #tpu.memory_space<hbm>>
      %dma_wait3A_193 = tpu.memref_squeeze %dma_wait3A_192 : memref<1x50000x16xf32, #tpu.memory_space<hbm>> -> memref<50000x16xf32, #tpu.memory_space<hbm>>
      %dma_wait3A_194 = arith.constant 0 : i32
      %dma_wait3A_195 = arith.constant 0 : i32
      %dma_wait3A_196 = tpu.memref_slice %dma_wait3A_193[%dma_wait3A_194, %dma_wait3A_195] : memref<50000x16xf32, #tpu.memory_space<hbm>> -> memref<50000x16xf32, #tpu.memory_space<hbm>>
      %dma_wait3A_197 = tpu.memref_slice %arg9[%rem3A_176] : memref<3x!tpu.dma_semaphore, #tpu.memory_space<semaphore_mem>> -> memref<1x!tpu.dma_semaphore, #tpu.memory_space<semaphore_mem>>
      %dma_wait3A_198 = tpu.memref_squeeze %dma_wait3A_197 : memref<1x!tpu.dma_semaphore, #tpu.memory_space<semaphore_mem>> -> memref<!tpu.dma_semaphore, #tpu.memory_space<semaphore_mem>>
      tpu.wait_indirect_dma semaphore(%dma_wait3A_198 : memref<!tpu.dma_semaphore, #tpu.memory_space<semaphore_mem>>) src(%dma_wait3A_196 : memref<50000x16xf32, #tpu.memory_space<hbm>>) dst(%dma_wait3A_186 : memref<1000x16xf32, #tpu.memory_space<vmem>>)
      %dma_wait3A_199 = arith.constant 1 : i32
      %dma_wait3A_200 = arith.constant 1 : i32
      %dma_wait3A_201 = arith.constant 0 : i32
      %dma_wait3A_202 = arith.constant 0 : i32
      %dma_wait3A_203 = tpu.memref_slice %arg6[%rem3A_176, %dma_wait3A_200, %dma_wait3A_201, %dma_wait3A_202] : memref<3x2x1000x16xf32, #tpu.memory_space<vmem>> -> memref<1x1x1000x16xf32, #tpu.memory_space<vmem>>
      %dma_wait3A_204 = tpu.memref_squeeze %dma_wait3A_203 : memref<1x1x1000x16xf32, #tpu.memory_space<vmem>> -> memref<1000x16xf32, #tpu.memory_space<vmem>>
      %dma_wait3A_205 = arith.constant 0 : i32
      %dma_wait3A_206 = tpu.memref_slice %arg5[%rem3A_176, %dma_wait3A_199, %dma_wait3A_205] : memref<3x2x1000xi32, #tpu.memory_space<vmem>> -> memref<1x1x1000xi32, #tpu.memory_space<vmem>>
      %dma_wait3A_207 = tpu.memref_squeeze %dma_wait3A_206 : memref<1x1x1000xi32, #tpu.memory_space<vmem>> -> memref<1000xi32, #tpu.memory_space<vmem>>
      %dma_wait3A_208 = arith.constant 0 : i32
      %dma_wait3A_209 = arith.constant 0 : i32
      %dma_wait3A_210 = tpu.memref_slice %arg2[%scan3A, %dma_wait3A_208, %dma_wait3A_209] : memref<2x50000x16xf32, #tpu.memory_space<hbm>> -> memref<1x50000x16xf32, #tpu.memory_space<hbm>>
      %dma_wait3A_211 = tpu.memref_squeeze %dma_wait3A_210 : memref<1x50000x16xf32, #tpu.memory_space<hbm>> -> memref<50000x16xf32, #tpu.memory_space<hbm>>
      %dma_wait3A_212 = arith.constant 0 : i32
      %dma_wait3A_213 = arith.constant 0 : i32
      %dma_wait3A_214 = tpu.memref_slice %dma_wait3A_211[%dma_wait3A_212, %dma_wait3A_213] : memref<50000x16xf32, #tpu.memory_space<hbm>> -> memref<50000x16xf32, #tpu.memory_space<hbm>>
      %dma_wait3A_215 = tpu.memref_slice %arg9[%rem3A_176] : memref<3x!tpu.dma_semaphore, #tpu.memory_space<semaphore_mem>> -> memref<1x!tpu.dma_semaphore, #tpu.memory_space<semaphore_mem>>
      %dma_wait3A_216 = tpu.memref_squeeze %dma_wait3A_215 : memref<1x!tpu.dma_semaphore, #tpu.memory_space<semaphore_mem>> -> memref<!tpu.dma_semaphore, #tpu.memory_space<semaphore_mem>>
      tpu.wait_indirect_dma semaphore(%dma_wait3A_216 : memref<!tpu.dma_semaphore, #tpu.memory_space<semaphore_mem>>) src(%dma_wait3A_214 : memref<50000x16xf32, #tpu.memory_space<hbm>>) dst(%dma_wait3A_204 : memref<1000x16xf32, #tpu.memory_space<vmem>>)
      %scan3A_217 = arith.constant 0 : i32
      %scan3A_218 = arith.constant 125 : i32
      %scan3A_219 = arith.addi %scan3A_217, %scan3A_218 : i32
      %scan3A_220 = arith.constant 1 : i32
      %scan3A_221:2 = scf.for %scan3A_225 = %scan3A_217 to %scan3A_219 step %scan3A_220 iter_args(%scan3A_226 = %broadcast_in_dim3A_3, %scan3A_227 = %broadcast_in_dim3A_3) -> (vector<16xf32>, vector<16xf32>)  : i32 {
        %mul3A_228 = arith.constant 8 : i32
        %mul3A_229 = arith.muli %scan3A_225, %mul3A_228 : i32
        %get3A = arith.constant 0 : i32
        %get3A_230 = arith.index_cast %rem3A_176 : i32 to index
        %get3A_231 = arith.index_cast %get3A : i32 to index
        %get3A_232 = arith.index_cast %mul3A_229 : i32 to index
        %get3A_233 = arith.constant 0 : index
        %get3A_234 = tpu.vector_load %arg6[%get3A_230, %get3A_231, %get3A_232, %get3A_233] {strides = array<i32>} : memref<3x2x1000x16xf32, #tpu.memory_space<vmem>>, vector<1x1x1x16xf32>,
        %get3A_235 = vector.shape_cast %get3A_234 : vector<1x1x1x16xf32> to vector<16xf32>
        %get3A_236 = arith.constant 1 : i32
        %get3A_237 = arith.index_cast %rem3A_176 : i32 to index
        %get3A_238 = arith.index_cast %get3A_236 : i32 to index
        %get3A_239 = arith.index_cast %mul3A_229 : i32 to index
        %get3A_240 = arith.constant 0 : index
        %get3A_241 = tpu.vector_load %arg6[%get3A_237, %get3A_238, %get3A_239, %get3A_240] {strides = array<i32>} : memref<3x2x1000x16xf32, #tpu.memory_space<vmem>>, vector<1x1x1x16xf32>,
        %get3A_242 = vector.shape_cast %get3A_241 : vector<1x1x1x16xf32> to vector<16xf32>
        %sub3A_243 = arith.subf %get3A_235, %get3A_242 : vector<16xf32>
        %mul3A_244 = arith.mulf %sub3A_243, %sub3A_243 : vector<16xf32>
        %add3A_245 = arith.addf %scan3A_226, %mul3A_244 : vector<16xf32>
        %add3A_246 = arith.constant 1 : i32
        %add3A_247 = arith.addi %mul3A_229, %add3A_246 : i32
        %get3A_248 = arith.constant 0 : i32
        %get3A_249 = arith.index_cast %rem3A_176 : i32 to index
        %get3A_250 = arith.index_cast %get3A_248 : i32 to index
        %get3A_251 = arith.index_cast %add3A_247 : i32 to index
        %get3A_252 = arith.constant 0 : index
        %get3A_253 = tpu.vector_load %arg6[%get3A_249, %get3A_250, %get3A_251, %get3A_252] {strides = array<i32>} : memref<3x2x1000x16xf32, #tpu.memory_space<vmem>>, vector<1x1x1x16xf32>,
        %get3A_254 = vector.shape_cast %get3A_253 : vector<1x1x1x16xf32> to vector<16xf32>
        %add3A_255 = arith.constant 1 : i32
        %add3A_256 = arith.addi %mul3A_229, %add3A_255 : i32
        %get3A_257 = arith.constant 1 : i32
        %get3A_258 = arith.index_cast %rem3A_176 : i32 to index
        %get3A_259 = arith.index_cast %get3A_257 : i32 to index
        %get3A_260 = arith.index_cast %add3A_256 : i32 to index
        %get3A_261 = arith.constant 0 : index
        %get3A_262 = tpu.vector_load %arg6[%get3A_258, %get3A_259, %get3A_260, %get3A_261] {strides = array<i32>} : memref<3x2x1000x16xf32, #tpu.memory_space<vmem>>, vector<1x1x1x16xf32>,
        %get3A_263 = vector.shape_cast %get3A_262 : vector<1x1x1x16xf32> to vector<16xf32>
        %sub3A_264 = arith.subf %get3A_254, %get3A_263 : vector<16xf32>
        %mul3A_265 = arith.mulf %sub3A_264, %sub3A_264 : vector<16xf32>
        %add3A_266 = arith.addf %scan3A_227, %mul3A_265 : vector<16xf32>
        %add3A_267 = arith.constant 2 : i32
        %add3A_268 = arith.addi %mul3A_229, %add3A_267 : i32
        %get3A_269 = arith.constant 0 : i32
        %get3A_270 = arith.index_cast %rem3A_176 : i32 to index
        %get3A_271 = arith.index_cast %get3A_269 : i32 to index
        %get3A_272 = arith.index_cast %add3A_268 : i32 to index
        %get3A_273 = arith.constant 0 : index
        %get3A_274 = tpu.vector_load %arg6[%get3A_270, %get3A_271, %get3A_272, %get3A_273] {strides = array<i32>} : memref<3x2x1000x16xf32, #tpu.memory_space<vmem>>, vector<1x1x1x16xf32>,
        %get3A_275 = vector.shape_cast %get3A_274 : vector<1x1x1x16xf32> to vector<16xf32>
        %add3A_276 = arith.constant 2 : i32
        %add3A_277 = arith.addi %mul3A_229, %add3A_276 : i32
        %get3A_278 = arith.constant 1 : i32
        %get3A_279 = arith.index_cast %rem3A_176 : i32 to index
        %get3A_280 = arith.index_cast %get3A_278 : i32 to index
        %get3A_281 = arith.index_cast %add3A_277 : i32 to index
        %get3A_282 = arith.constant 0 : index
        %get3A_283 = tpu.vector_load %arg6[%get3A_279, %get3A_280, %get3A_281, %get3A_282] {strides = array<i32>} : memref<3x2x1000x16xf32, #tpu.memory_space<vmem>>, vector<1x1x1x16xf32>,
        %get3A_284 = vector.shape_cast %get3A_283 : vector<1x1x1x16xf32> to vector<16xf32>
        %sub3A_285 = arith.subf %get3A_275, %get3A_284 : vector<16xf32>
        %mul3A_286 = arith.mulf %sub3A_285, %sub3A_285 : vector<16xf32>
        %add3A_287 = arith.addf %add3A_245, %mul3A_286 : vector<16xf32>
        %add3A_288 = arith.constant 3 : i32
        %add3A_289 = arith.addi %mul3A_229, %add3A_288 : i32
        %get3A_290 = arith.constant 0 : i32
        %get3A_291 = arith.index_cast %rem3A_176 : i32 to index
        %get3A_292 = arith.index_cast %get3A_290 : i32 to index
        %get3A_293 = arith.index_cast %add3A_289 : i32 to index
        %get3A_294 = arith.constant 0 : index
        %get3A_295 = tpu.vector_load %arg6[%get3A_291, %get3A_292, %get3A_293, %get3A_294] {strides = array<i32>} : memref<3x2x1000x16xf32, #tpu.memory_space<vmem>>, vector<1x1x1x16xf32>,
        %get3A_296 = vector.shape_cast %get3A_295 : vector<1x1x1x16xf32> to vector<16xf32>
        %add3A_297 = arith.constant 3 : i32
        %add3A_298 = arith.addi %mul3A_229, %add3A_297 : i32
        %get3A_299 = arith.constant 1 : i32
        %get3A_300 = arith.index_cast %rem3A_176 : i32 to index
        %get3A_301 = arith.index_cast %get3A_299 : i32 to index
        %get3A_302 = arith.index_cast %add3A_298 : i32 to index
        %get3A_303 = arith.constant 0 : index
        %get3A_304 = tpu.vector_load %arg6[%get3A_300, %get3A_301, %get3A_302, %get3A_303] {strides = array<i32>} : memref<3x2x1000x16xf32, #tpu.memory_space<vmem>>, vector<1x1x1x16xf32>,
        %get3A_305 = vector.shape_cast %get3A_304 : vector<1x1x1x16xf32> to vector<16xf32>
        %sub3A_306 = arith.subf %get3A_296, %get3A_305 : vector<16xf32>
        %mul3A_307 = arith.mulf %sub3A_306, %sub3A_306 : vector<16xf32>
        %add3A_308 = arith.addf %add3A_266, %mul3A_307 : vector<16xf32>
        %add3A_309 = arith.constant 4 : i32
        %add3A_310 = arith.addi %mul3A_229, %add3A_309 : i32
        %get3A_311 = arith.constant 0 : i32
        %get3A_312 = arith.index_cast %rem3A_176 : i32 to index
        %get3A_313 = arith.index_cast %get3A_311 : i32 to index
        %get3A_314 = arith.index_cast %add3A_310 : i32 to index
        %get3A_315 = arith.constant 0 : index
        %get3A_316 = tpu.vector_load %arg6[%get3A_312, %get3A_313, %get3A_314, %get3A_315] {strides = array<i32>} : memref<3x2x1000x16xf32, #tpu.memory_space<vmem>>, vector<1x1x1x16xf32>,
        %get3A_317 = vector.shape_cast %get3A_316 : vector<1x1x1x16xf32> to vector<16xf32>
        %add3A_318 = arith.constant 4 : i32
        %add3A_319 = arith.addi %mul3A_229, %add3A_318 : i32
        %get3A_320 = arith.constant 1 : i32
        %get3A_321 = arith.index_cast %rem3A_176 : i32 to index
        %get3A_322 = arith.index_cast %get3A_320 : i32 to index
        %get3A_323 = arith.index_cast %add3A_319 : i32 to index
        %get3A_324 = arith.constant 0 : index
        %get3A_325 = tpu.vector_load %arg6[%get3A_321, %get3A_322, %get3A_323, %get3A_324] {strides = array<i32>} : memref<3x2x1000x16xf32, #tpu.memory_space<vmem>>, vector<1x1x1x16xf32>,
        %get3A_326 = vector.shape_cast %get3A_325 : vector<1x1x1x16xf32> to vector<16xf32>
        %sub3A_327 = arith.subf %get3A_317, %get3A_326 : vector<16xf32>
        %mul3A_328 = arith.mulf %sub3A_327, %sub3A_327 : vector<16xf32>
        %add3A_329 = arith.addf %add3A_287, %mul3A_328 : vector<16xf32>
        %add3A_330 = arith.constant 5 : i32
        %add3A_331 = arith.addi %mul3A_229, %add3A_330 : i32
        %get3A_332 = arith.constant 0 : i32
        %get3A_333 = arith.index_cast %rem3A_176 : i32 to index
        %get3A_334 = arith.index_cast %get3A_332 : i32 to index
        %get3A_335 = arith.index_cast %add3A_331 : i32 to index
        %get3A_336 = arith.constant 0 : index
        %get3A_337 = tpu.vector_load %arg6[%get3A_333, %get3A_334, %get3A_335, %get3A_336] {strides = array<i32>} : memref<3x2x1000x16xf32, #tpu.memory_space<vmem>>, vector<1x1x1x16xf32>,
        %get3A_338 = vector.shape_cast %get3A_337 : vector<1x1x1x16xf32> to vector<16xf32>
        %add3A_339 = arith.constant 5 : i32
        %add3A_340 = arith.addi %mul3A_229, %add3A_339 : i32
        %get3A_341 = arith.constant 1 : i32
        %get3A_342 = arith.index_cast %rem3A_176 : i32 to index
        %get3A_343 = arith.index_cast %get3A_341 : i32 to index
        %get3A_344 = arith.index_cast %add3A_340 : i32 to index
        %get3A_345 = arith.constant 0 : index
        %get3A_346 = tpu.vector_load %arg6[%get3A_342, %get3A_343, %get3A_344, %get3A_345] {strides = array<i32>} : memref<3x2x1000x16xf32, #tpu.memory_space<vmem>>, vector<1x1x1x16xf32>,
        %get3A_347 = vector.shape_cast %get3A_346 : vector<1x1x1x16xf32> to vector<16xf32>
        %sub3A_348 = arith.subf %get3A_338, %get3A_347 : vector<16xf32>
        %mul3A_349 = arith.mulf %sub3A_348, %sub3A_348 : vector<16xf32>
        %add3A_350 = arith.addf %add3A_308, %mul3A_349 : vector<16xf32>
        %add3A_351 = arith.constant 6 : i32
        %add3A_352 = arith.addi %mul3A_229, %add3A_351 : i32
        %get3A_353 = arith.constant 0 : i32
        %get3A_354 = arith.index_cast %rem3A_176 : i32 to index
        %get3A_355 = arith.index_cast %get3A_353 : i32 to index
        %get3A_356 = arith.index_cast %add3A_352 : i32 to index
        %get3A_357 = arith.constant 0 : index
        %get3A_358 = tpu.vector_load %arg6[%get3A_354, %get3A_355, %get3A_356, %get3A_357] {strides = array<i32>} : memref<3x2x1000x16xf32, #tpu.memory_space<vmem>>, vector<1x1x1x16xf32>,
        %get3A_359 = vector.shape_cast %get3A_358 : vector<1x1x1x16xf32> to vector<16xf32>
        %add3A_360 = arith.constant 6 : i32
        %add3A_361 = arith.addi %mul3A_229, %add3A_360 : i32
        %get3A_362 = arith.constant 1 : i32
        %get3A_363 = arith.index_cast %rem3A_176 : i32 to index
        %get3A_364 = arith.index_cast %get3A_362 : i32 to index
        %get3A_365 = arith.index_cast %add3A_361 : i32 to index
        %get3A_366 = arith.constant 0 : index
        %get3A_367 = tpu.vector_load %arg6[%get3A_363, %get3A_364, %get3A_365, %get3A_366] {strides = array<i32>} : memref<3x2x1000x16xf32, #tpu.memory_space<vmem>>, vector<1x1x1x16xf32>,
        %get3A_368 = vector.shape_cast %get3A_367 : vector<1x1x1x16xf32> to vector<16xf32>
        %sub3A_369 = arith.subf %get3A_359, %get3A_368 : vector<16xf32>
        %mul3A_370 = arith.mulf %sub3A_369, %sub3A_369 : vector<16xf32>
        %add3A_371 = arith.addf %add3A_329, %mul3A_370 : vector<16xf32>
        %add3A_372 = arith.constant 7 : i32
        %add3A_373 = arith.addi %mul3A_229, %add3A_372 : i32
        %get3A_374 = arith.constant 0 : i32
        %get3A_375 = arith.index_cast %rem3A_176 : i32 to index
        %get3A_376 = arith.index_cast %get3A_374 : i32 to index
        %get3A_377 = arith.index_cast %add3A_373 : i32 to index
        %get3A_378 = arith.constant 0 : index
        %get3A_379 = tpu.vector_load %arg6[%get3A_375, %get3A_376, %get3A_377, %get3A_378] {strides = array<i32>} : memref<3x2x1000x16xf32, #tpu.memory_space<vmem>>, vector<1x1x1x16xf32>,
        %get3A_380 = vector.shape_cast %get3A_379 : vector<1x1x1x16xf32> to vector<16xf32>
        %add3A_381 = arith.constant 7 : i32
        %add3A_382 = arith.addi %mul3A_229, %add3A_381 : i32
        %get3A_383 = arith.constant 1 : i32
        %get3A_384 = arith.index_cast %rem3A_176 : i32 to index
        %get3A_385 = arith.index_cast %get3A_383 : i32 to index
        %get3A_386 = arith.index_cast %add3A_382 : i32 to index
        %get3A_387 = arith.constant 0 : index
        %get3A_388 = tpu.vector_load %arg6[%get3A_384, %get3A_385, %get3A_386, %get3A_387] {strides = array<i32>} : memref<3x2x1000x16xf32, #tpu.memory_space<vmem>>, vector<1x1x1x16xf32>,
        %get3A_389 = vector.shape_cast %get3A_388 : vector<1x1x1x16xf32> to vector<16xf32>
        %sub3A_390 = arith.subf %get3A_380, %get3A_389 : vector<16xf32>
        %mul3A_391 = arith.mulf %sub3A_390, %sub3A_390 : vector<16xf32>
        %add3A_392 = arith.addf %add3A_350, %mul3A_391 : vector<16xf32>
        scf.yield %add3A_371, %add3A_392 : vector<16xf32>, vector<16xf32>
      }
      %scan3A_222 = arith.constant 125 : i32
      %add3A_223 = arith.addf %scan3A_221#0, %scan3A_221#1 : vector<16xf32>
      %add3A_224 = arith.addf %scan3A_174, %add3A_223 : vector<16xf32>
      scf.yield %add3A_224 : vector<16xf32>
    }
    %scan3A_129 = arith.constant 50 : i32
    %dma_wait3A = arith.constant 1 : i32
    %dma_wait3A_130 = arith.constant 0 : i32
    %dma_wait3A_131 = arith.constant 0 : i32
    %dma_wait3A_132 = tpu.memref_slice %arg2[%dma_wait3A, %dma_wait3A_130, %dma_wait3A_131] : memref<2x50000x16xf32, #tpu.memory_space<hbm>> -> memref<1x50000x16xf32, #tpu.memory_space<hbm>>
    %dma_wait3A_133 = tpu.memref_squeeze %dma_wait3A_132 : memref<1x50000x16xf32, #tpu.memory_space<hbm>> -> memref<50000x16xf32, #tpu.memory_space<hbm>>
    %dma_wait3A_134 = arith.constant 0 : i32
    %dma_wait3A_135 = tpu.memref_slice %dma_wait3A_133[%min3A_6, %dma_wait3A_134] : memref<50000x16xf32, #tpu.memory_space<hbm>> -> memref<1568x16xf32, #tpu.memory_space<hbm>>
    %dma_wait3A_136 = arith.constant 0 : i32
    %dma_wait3A_137 = arith.constant 0 : i32
    %dma_wait3A_138 = tpu.memref_slice %arg2[%dma_wait3A, %dma_wait3A_136, %dma_wait3A_137] : memref<2x50000x16xf32, #tpu.memory_space<hbm>> -> memref<1x50000x16xf32, #tpu.memory_space<hbm>>
    %dma_wait3A_139 = tpu.memref_squeeze %dma_wait3A_138 : memref<1x50000x16xf32, #tpu.memory_space<hbm>> -> memref<50000x16xf32, #tpu.memory_space<hbm>>
    %dma_wait3A_140 = arith.constant 0 : i32
    %dma_wait3A_141 = tpu.memref_slice %dma_wait3A_139[%min3A_6, %dma_wait3A_140] : memref<50000x16xf32, #tpu.memory_space<hbm>> -> memref<1568x16xf32, #tpu.memory_space<hbm>>
    tpu.wait_dma2 semaphore(%arg10 : memref<!tpu.dma_semaphore, #tpu.memory_space<semaphore_mem>>) src(%dma_wait3A_141 : memref<1568x16xf32, #tpu.memory_space<hbm>>) dst(%arg7 : memref<1568x16xf32, #tpu.memory_space<vmem>>)
    %jit3A = arith.constant 8 : i32
    %div3A = arith.divsi %sub3A, %jit3A : i32
    %sign3A = arith.constant 0 : i32
    %sign3A_142 = arith.cmpi sgt, %sub3A, %sign3A : i32
    %sign3A_143 = arith.extui %sign3A_142 : i1 to i32
    %sign3A_144 = arith.constant 0 : i32
    %sign3A_145 = arith.cmpi slt, %sub3A, %sign3A_144 : i32
    %sign3A_146 = arith.extui %sign3A_145 : i1 to i32
    %sign3A_147 = arith.subi %sign3A_143, %sign3A_146 : i32
    %sign3A_148 = arith.constant 0 : i32
    %sign3A_149 = arith.cmpi sgt, %jit3A, %sign3A_148 : i32
    %sign3A_150 = arith.extui %sign3A_149 : i1 to i32
    %sign3A_151 = arith.constant 0 : i32
    %sign3A_152 = arith.cmpi slt, %jit3A, %sign3A_151 : i32
    %sign3A_153 = arith.extui %sign3A_152 : i1 to i32
    %sign3A_154 = arith.subi %sign3A_150, %sign3A_153 : i32
    %ne3A = arith.cmpi ne, %sign3A_147, %sign3A_154 : i32
    %rem3A = arith.remsi %sub3A, %jit3A : i32
    %ne3A_155 = arith.constant 0 : i32
    %ne3A_156 = arith.cmpi ne, %rem3A, %ne3A_155 : i32
    %and3A = arith.andi %ne3A, %ne3A_156 : i1
    %sub3A_157 = arith.constant 1 : i32
    %sub3A_158 = arith.subi %div3A, %sub3A_157 : i32
    %select_n3A = arith.select %and3A, %sub3A_158, %div3A : i32
    %while3A = arith.constant 196 : i32
    %while3A_159 = arith.subi %while3A, %select_n3A : i32
    %while3A_160 = arith.addi %select_n3A, %while3A_159 : i32
    %while3A_161 = arith.constant 1 : i32
    %while3A_162 = arith.divsi %while3A_159, %while3A_161 : i32
    %while3A_163 = arith.muli %while3A_162, %while3A_161 : i32
    %while3A_164 = arith.addi %select_n3A, %while3A_163 : i32
    %while3A_165 = arith.constant 1 : i32
    %while3A_166 = scf.for %while3A_173 = %select_n3A to %while3A_164 step %while3A_165 iter_args(%while3A_174 = %broadcast_in_dim3A_3) -> (vector<16xf32>)  : i32 {
      %mul3A_175 = arith.constant 8 : i32
      %mul3A_176 = arith.muli %while3A_173, %mul3A_175 : i32
      %get3A = arith.index_cast %mul3A_176 : i32 to index
      %get3A_177 = arith.constant 0 : index
      %get3A_178 = tpu.vector_load %arg7[%get3A, %get3A_177] {strides = array<i32>} : memref<1568x16xf32, #tpu.memory_space<vmem>>, vector<1x16xf32>,
      %get3A_179 = vector.shape_cast %get3A_178 : vector<1x16xf32> to vector<16xf32>
      %mul3A_180 = arith.mulf %get3A_179, %get3A_179 : vector<16xf32>
      %add3A_181 = arith.addf %while3A_174, %mul3A_180 : vector<16xf32>
      %add3A_182 = arith.constant 1 : i32
      %add3A_183 = arith.addi %mul3A_176, %add3A_182 : i32
      %get3A_184 = arith.index_cast %add3A_183 : i32 to index
      %get3A_185 = arith.constant 0 : index
      %get3A_186 = tpu.vector_load %arg7[%get3A_184, %get3A_185] {strides = array<i32>} : memref<1568x16xf32, #tpu.memory_space<vmem>>, vector<1x16xf32>,
      %get3A_187 = vector.shape_cast %get3A_186 : vector<1x16xf32> to vector<16xf32>
      %mul3A_188 = arith.mulf %get3A_187, %get3A_187 : vector<16xf32>
      %add3A_189 = arith.addf %add3A_181, %mul3A_188 : vector<16xf32>
      %add3A_190 = arith.constant 2 : i32
      %add3A_191 = arith.addi %mul3A_176, %add3A_190 : i32
      %get3A_192 = arith.index_cast %add3A_191 : i32 to index
      %get3A_193 = arith.constant 0 : index
      %get3A_194 = tpu.vector_load %arg7[%get3A_192, %get3A_193] {strides = array<i32>} : memref<1568x16xf32, #tpu.memory_space<vmem>>, vector<1x16xf32>,
      %get3A_195 = vector.shape_cast %get3A_194 : vector<1x16xf32> to vector<16xf32>
      %mul3A_196 = arith.mulf %get3A_195, %get3A_195 : vector<16xf32>
      %add3A_197 = arith.addf %add3A_189, %mul3A_196 : vector<16xf32>
      %add3A_198 = arith.constant 3 : i32
      %add3A_199 = arith.addi %mul3A_176, %add3A_198 : i32
      %get3A_200 = arith.index_cast %add3A_199 : i32 to index
      %get3A_201 = arith.constant 0 : index
      %get3A_202 = tpu.vector_load %arg7[%get3A_200, %get3A_201] {strides = array<i32>} : memref<1568x16xf32, #tpu.memory_space<vmem>>, vector<1x16xf32>,
      %get3A_203 = vector.shape_cast %get3A_202 : vector<1x16xf32> to vector<16xf32>
      %mul3A_204 = arith.mulf %get3A_203, %get3A_203 : vector<16xf32>
      %add3A_205 = arith.addf %add3A_197, %mul3A_204 : vector<16xf32>
      %add3A_206 = arith.constant 4 : i32
      %add3A_207 = arith.addi %mul3A_176, %add3A_206 : i32
      %get3A_208 = arith.index_cast %add3A_207 : i32 to index
      %get3A_209 = arith.constant 0 : index
      %get3A_210 = tpu.vector_load %arg7[%get3A_208, %get3A_209] {strides = array<i32>} : memref<1568x16xf32, #tpu.memory_space<vmem>>, vector<1x16xf32>,
      %get3A_211 = vector.shape_cast %get3A_210 : vector<1x16xf32> to vector<16xf32>
      %mul3A_212 = arith.mulf %get3A_211, %get3A_211 : vector<16xf32>
      %add3A_213 = arith.addf %add3A_205, %mul3A_212 : vector<16xf32>
      %add3A_214 = arith.constant 5 : i32
      %add3A_215 = arith.addi %mul3A_176, %add3A_214 : i32
      %get3A_216 = arith.index_cast %add3A_215 : i32 to index
      %get3A_217 = arith.constant 0 : index
      %get3A_218 = tpu.vector_load %arg7[%get3A_216, %get3A_217] {strides = array<i32>} : memref<1568x16xf32, #tpu.memory_space<vmem>>, vector<1x16xf32>,
      %get3A_219 = vector.shape_cast %get3A_218 : vector<1x16xf32> to vector<16xf32>
      %mul3A_220 = arith.mulf %get3A_219, %get3A_219 : vector<16xf32>
      %add3A_221 = arith.addf %add3A_213, %mul3A_220 : vector<16xf32>
      %add3A_222 = arith.constant 6 : i32
      %add3A_223 = arith.addi %mul3A_176, %add3A_222 : i32
      %get3A_224 = arith.index_cast %add3A_223 : i32 to index
      %get3A_225 = arith.constant 0 : index
      %get3A_226 = tpu.vector_load %arg7[%get3A_224, %get3A_225] {strides = array<i32>} : memref<1568x16xf32, #tpu.memory_space<vmem>>, vector<1x16xf32>,
      %get3A_227 = vector.shape_cast %get3A_226 : vector<1x16xf32> to vector<16xf32>
      %mul3A_228 = arith.mulf %get3A_227, %get3A_227 : vector<16xf32>
      %add3A_229 = arith.addf %add3A_221, %mul3A_228 : vector<16xf32>
      %add3A_230 = arith.constant 7 : i32
      %add3A_231 = arith.addi %mul3A_176, %add3A_230 : i32
      %get3A_232 = arith.index_cast %add3A_231 : i32 to index
      %get3A_233 = arith.constant 0 : index
      %get3A_234 = tpu.vector_load %arg7[%get3A_232, %get3A_233] {strides = array<i32>} : memref<1568x16xf32, #tpu.memory_space<vmem>>, vector<1x16xf32>,
      %get3A_235 = vector.shape_cast %get3A_234 : vector<1x16xf32> to vector<16xf32>
      %mul3A_236 = arith.mulf %get3A_235, %get3A_235 : vector<16xf32>
      %add3A_237 = arith.addf %add3A_229, %mul3A_236 : vector<16xf32>
      scf.yield %add3A_237 : vector<16xf32>
    }
    %while3A_167 = arith.constant 1 : i32
    %while3A_168 = scf.for %while3A_173 = %while3A_164 to %while3A_160 step %while3A_167 iter_args(%while3A_174 = %while3A_166) -> (vector<16xf32>)  : i32 {
      %mul3A_175 = arith.constant 8 : i32
      %mul3A_176 = arith.muli %while3A_173, %mul3A_175 : i32
      %get3A = arith.index_cast %mul3A_176 : i32 to index
      %get3A_177 = arith.constant 0 : index
      %get3A_178 = tpu.vector_load %arg7[%get3A, %get3A_177] {strides = array<i32>} : memref<1568x16xf32, #tpu.memory_space<vmem>>, vector<1x16xf32>,
      %get3A_179 = vector.shape_cast %get3A_178 : vector<1x16xf32> to vector<16xf32>
      %mul3A_180 = arith.mulf %get3A_179, %get3A_179 : vector<16xf32>
      %add3A_181 = arith.addf %while3A_174, %mul3A_180 : vector<16xf32>
      %add3A_182 = arith.constant 1 : i32
      %add3A_183 = arith.addi %mul3A_176, %add3A_182 : i32
      %get3A_184 = arith.index_cast %add3A_183 : i32 to index
      %get3A_185 = arith.constant 0 : index
      %get3A_186 = tpu.vector_load %arg7[%get3A_184, %get3A_185] {strides = array<i32>} : memref<1568x16xf32, #tpu.memory_space<vmem>>, vector<1x16xf32>,
      %get3A_187 = vector.shape_cast %get3A_186 : vector<1x16xf32> to vector<16xf32>
      %mul3A_188 = arith.mulf %get3A_187, %get3A_187 : vector<16xf32>
      %add3A_189 = arith.addf %add3A_181, %mul3A_188 : vector<16xf32>
      %add3A_190 = arith.constant 2 : i32
      %add3A_191 = arith.addi %mul3A_176, %add3A_190 : i32
      %get3A_192 = arith.index_cast %add3A_191 : i32 to index
      %get3A_193 = arith.constant 0 : index
      %get3A_194 = tpu.vector_load %arg7[%get3A_192, %get3A_193] {strides = array<i32>} : memref<1568x16xf32, #tpu.memory_space<vmem>>, vector<1x16xf32>,
      %get3A_195 = vector.shape_cast %get3A_194 : vector<1x16xf32> to vector<16xf32>
      %mul3A_196 = arith.mulf %get3A_195, %get3A_195 : vector<16xf32>
      %add3A_197 = arith.addf %add3A_189, %mul3A_196 : vector<16xf32>
      %add3A_198 = arith.constant 3 : i32
      %add3A_199 = arith.addi %mul3A_176, %add3A_198 : i32
      %get3A_200 = arith.index_cast %add3A_199 : i32 to index
      %get3A_201 = arith.constant 0 : index
      %get3A_202 = tpu.vector_load %arg7[%get3A_200, %get3A_201] {strides = array<i32>} : memref<1568x16xf32, #tpu.memory_space<vmem>>, vector<1x16xf32>,
      %get3A_203 = vector.shape_cast %get3A_202 : vector<1x16xf32> to vector<16xf32>
      %mul3A_204 = arith.mulf %get3A_203, %get3A_203 : vector<16xf32>
      %add3A_205 = arith.addf %add3A_197, %mul3A_204 : vector<16xf32>
      %add3A_206 = arith.constant 4 : i32
      %add3A_207 = arith.addi %mul3A_176, %add3A_206 : i32
      %get3A_208 = arith.index_cast %add3A_207 : i32 to index
      %get3A_209 = arith.constant 0 : index
      %get3A_210 = tpu.vector_load %arg7[%get3A_208, %get3A_209] {strides = array<i32>} : memref<1568x16xf32, #tpu.memory_space<vmem>>, vector<1x16xf32>,
      %get3A_211 = vector.shape_cast %get3A_210 : vector<1x16xf32> to vector<16xf32>
      %mul3A_212 = arith.mulf %get3A_211, %get3A_211 : vector<16xf32>
      %add3A_213 = arith.addf %add3A_205, %mul3A_212 : vector<16xf32>
      %add3A_214 = arith.constant 5 : i32
      %add3A_215 = arith.addi %mul3A_176, %add3A_214 : i32
      %get3A_216 = arith.index_cast %add3A_215 : i32 to index
      %get3A_217 = arith.constant 0 : index
      %get3A_218 = tpu.vector_load %arg7[%get3A_216, %get3A_217] {strides = array<i32>} : memref<1568x16xf32, #tpu.memory_space<vmem>>, vector<1x16xf32>,
      %get3A_219 = vector.shape_cast %get3A_218 : vector<1x16xf32> to vector<16xf32>
      %mul3A_220 = arith.mulf %get3A_219, %get3A_219 : vector<16xf32>
      %add3A_221 = arith.addf %add3A_213, %mul3A_220 : vector<16xf32>
      %add3A_222 = arith.constant 6 : i32
      %add3A_223 = arith.addi %mul3A_176, %add3A_222 : i32
      %get3A_224 = arith.index_cast %add3A_223 : i32 to index
      %get3A_225 = arith.constant 0 : index
      %get3A_226 = tpu.vector_load %arg7[%get3A_224, %get3A_225] {strides = array<i32>} : memref<1568x16xf32, #tpu.memory_space<vmem>>, vector<1x16xf32>,
      %get3A_227 = vector.shape_cast %get3A_226 : vector<1x16xf32> to vector<16xf32>
      %mul3A_228 = arith.mulf %get3A_227, %get3A_227 : vector<16xf32>
      %add3A_229 = arith.addf %add3A_221, %mul3A_228 : vector<16xf32>
      %add3A_230 = arith.constant 7 : i32
      %add3A_231 = arith.addi %mul3A_176, %add3A_230 : i32
      %get3A_232 = arith.index_cast %add3A_231 : i32 to index
      %get3A_233 = arith.constant 0 : index
      %get3A_234 = tpu.vector_load %arg7[%get3A_232, %get3A_233] {strides = array<i32>} : memref<1568x16xf32, #tpu.memory_space<vmem>>, vector<1x16xf32>,
      %get3A_235 = vector.shape_cast %get3A_234 : vector<1x16xf32> to vector<16xf32>
      %mul3A_236 = arith.mulf %get3A_235, %get3A_235 : vector<16xf32>
      %add3A_237 = arith.addf %add3A_229, %mul3A_236 : vector<16xf32>
      scf.yield %add3A_237 : vector<16xf32>
    }
    %add3A_169 = arith.addf %scan3A_128, %while3A_168 : vector<16xf32>
    %swap3A = arith.constant 0 : index
    %swap3A_170 = tpu.vector_load %arg8[%swap3A] {strides = array<i32>} : memref<16xf32, #tpu.memory_space<vmem>>, vector<16xf32>,
    %swap3A_171 = vector.shape_cast %swap3A_170 : vector<16xf32> to vector<16xf32>
    %swap3A_172 = vector.shape_cast %add3A_169 : vector<16xf32> to vector<16xf32>
    tpu.vector_store %arg8[%swap3A], %swap3A_172 {strides = array<i32>} : memref<16xf32, #tpu.memory_space<vmem>>, vector<16xf32>,
    "tpu.region"() ({
      %run_scoped3A_173 = tpu.sem_alloc : memref<!tpu.dma_semaphore, #tpu.memory_space<semaphore_mem>>
      %dma_start3A_174 = arith.constant 0 : i32
      %dma_start3A_175 = tpu.memref_slice %arg4[%add3A, %dma_start3A_174] : memref<32x16xf32, #tpu.memory_space<hbm>> -> memref<1x16xf32, #tpu.memory_space<hbm>>
      %dma_start3A_176 = tpu.memref_squeeze %dma_start3A_175 : memref<1x16xf32, #tpu.memory_space<hbm>> -> memref<16xf32, #tpu.memory_space<hbm>>
      %dma_start3A_177 = arith.constant 0 : i32
      %dma_start3A_178 = tpu.memref_slice %arg4[%add3A, %dma_start3A_177] : memref<32x16xf32, #tpu.memory_space<hbm>> -> memref<1x16xf32, #tpu.memory_space<hbm>>
      %dma_start3A_179 = tpu.memref_squeeze %dma_start3A_178 : memref<1x16xf32, #tpu.memory_space<hbm>> -> memref<16xf32, #tpu.memory_space<hbm>>
      tpu.enqueue_dma source(%arg8 : memref<16xf32, #tpu.memory_space<vmem>>) target(%dma_start3A_179 : memref<16xf32, #tpu.memory_space<hbm>>) target_semaphore(%run_scoped3A_173 : memref<!tpu.dma_semaphore, #tpu.memory_space<semaphore_mem>>)
      %dma_wait3A_180 = arith.constant 0 : i32
      %dma_wait3A_181 = tpu.memref_slice %arg4[%add3A, %dma_wait3A_180] : memref<32x16xf32, #tpu.memory_space<hbm>> -> memref<1x16xf32, #tpu.memory_space<hbm>>
      %dma_wait3A_182 = tpu.memref_squeeze %dma_wait3A_181 : memref<1x16xf32, #tpu.memory_space<hbm>> -> memref<16xf32, #tpu.memory_space<hbm>>
      %dma_wait3A_183 = arith.constant 0 : i32
      %dma_wait3A_184 = tpu.memref_slice %arg4[%add3A, %dma_wait3A_183] : memref<32x16xf32, #tpu.memory_space<hbm>> -> memref<1x16xf32, #tpu.memory_space<hbm>>
      %dma_wait3A_185 = tpu.memref_squeeze %dma_wait3A_184 : memref<1x16xf32, #tpu.memory_space<hbm>> -> memref<16xf32, #tpu.memory_space<hbm>>
      tpu.wait_dma2 semaphore(%run_scoped3A_173 : memref<!tpu.dma_semaphore, #tpu.memory_space<semaphore_mem>>) src(%arg8 : memref<16xf32, #tpu.memory_space<vmem>>) dst(%dma_wait3A_185 : memref<16xf32, #tpu.memory_space<hbm>>)
      tpu.yield
    }) : () -> ()
    return
  }
}

</mosaic_0001>

<sc_bundles>
// kernel: kernel.3.cloned.1.call-start
scs
__scs_entry_jumppad:
0x0: {  	(pc) =	sbr.rel $0x88, $3  }
0x1: {  	(tag) =	ssettag $0x0;
	lr =	simm.s32 $0x1  }
0x2: {  	[smem:$0x3F9F] =	sst lr;
	_ =	strace $0xD0000000  }
0x3: {  	_ = 	snop  }
0x4: {  	_ = 	snop  }
0x5: {  	_ = 	snop  }
0x6: {  	_ = 	snop  }
0x7: {  	_ = 	snop  }
__scs_overlays_trampoline_lowered:
0x8: {  	[smem:$0x3FAE] =	sst s0  }
0x9: {  	[smem:$0x3FAF] =	sst s1  }
0xa: {  	[smem:$0x3FB0] =	sst s2  }
0xb: {  	[smem:$0x3FB1] =	sst s3  }
0xc: {  	[smem:$0x3FB2] =	sst s4  }
0xd: {  	[smem:$0x3FB3] =	sst s5  }
0xe: {  	[smem:$0x3FB4] =	sst s6  }
0xf: {  	[smem:$0x3FB5] =	sst s7  }
0x10: {  	[smem:$0x3FB6] =	sst s8  }
0x11: {  	[smem:$0x3FB7] =	sst s9;
	s0 =	simm.s32 @!p0 $0x0  }
0x12: {  	s1 =	sld [smem:$0x3F9D];
	s0 =	simm.s32 @p0 $0x1  }
0x13: {  	[smem:$0x3FB8] =	sst s0;
	s0 =	simm.s32 @!p1 $0x0  }
0x14: {  	s2 =	sld [smem:$0x3F9C];
	s0 =	simm.s32 @p1 $0x1  }
0x15: {  	[smem:$0x3FB9] =	sst s0;
	s0 =	simm.s32 @!p2 $0x0  }
0x16: {  	s3 =	sld [smem:$0x3FDB];
	s0 =	simm.s32 @p2 $0x1  }
0x17: {  	s4 =	simm.s32 $0x1BF5;
	[smem:$0x3FBB] =	sst s0  }
0x18: {  	s0 =	sld [smem:$0x3F9E];
	_ =	swait.ge [sflag:s4], $0x0  }
0x19: {  	s7 =	sld [smem:$0x3F9F]  }
0x1a: {  	s8 =	sadd.s32 $0xFFFFE003, lr  }
0x1b: {  	s9 =	sadd.s32 $0xFFFFFEF7, lr;
	s5 =	simm.s32 $0xFFFFFFFF;
	p2 =	slt.u32 s8, $0xFFFFF086  }
0x1c: {  	p1 =	slt.u32 s9, $0xF7A;
	s5 =	simm.s32 @!p2 $0x0  }
0x1d: {  	s5 =	simm.s32 @p1 $0x1;
	p0 =	seq.s32 s7, s2  }
0x1e: {  	s7 =	smul.u32 @!p0 $0xF7A, s2;
	p2 =	seq.s32 @!p0 s5, $0x0  }
0x1f: {  	s9 =	smul.u32 $0xF7A, s1;
	s8 =	simm.s32 @!p0 $0x1BF5;
	p2 =	por !p2, p0  }
0x20: {  	[sflag:s8] =	ssyncset.s32 @!p0 $0xFFFFF086;
	s6 =	sadd.s32 @!p0 s3, s7;
	s7 =	simm.s32 @!p0 $0x108  }
0x21: {  	s3 =	sadd.s32 s3, s9;
	s6 =	sadd.s32 @!p0 $0x88, s6;
	s7 =	simm.s32 @p2 $0x1082  }
0x22: {  	[simem:s7], [sflag:s8] =	dma.local @!p0 [hbm:s6], $0xF7A  }
0x23: {  	s9 =	sor.u32 $0xD0000000, s2;
	s6 =	simm.s32 $0x108;
	_ =	swait.ge @!p0 [sflag:s8], $0x0  }
0x24: {  	s3 =	sadd.s32 $0x88, s3;
	s6 =	simm.s32 @!p1 $0x1082;
	[sflag:s4] =	ssyncset.s32 $0xFFFFF086  }
0x25: {  	[simem:s6], [sflag:s4] =	dma.local [hbm:s3], $0xF7A  }
0x26: {  	[smem:$0x3F9F] =	sst s1;
	(tag) =	ssettag s2;
	_ =	strace s9  }
0x27: {  	s1 =	sld [smem:$0x3FAF]  }
0x28: {  	s2 =	sld [smem:$0x3FB0]  }
0x29: {  	s4 =	sld [smem:$0x3FB2]  }
0x2a: {  	p0 =	seq.s32 s5, $0x0;
	s5 =	sld [smem:$0x3FB3]  }
0x2b: {  	s6 =	sld [smem:$0x3FB4]  }
0x2c: {  	s7 =	sld [smem:$0x3FB5]  }
0x2d: {  	s3 =	simm.s32 $0x108;
	s8 =	sld [smem:$0x3FB6]  }
0x2e: {  	s3 =	simm.s32 @!p0 $0x1082;
	s9 =	sld [smem:$0x3FB7]  }
0x2f: {  	lr =	sadd.s32 s0, s3;
	s0 =	sld [smem:$0x3FAE]  }
0x30: {  	s3 =	sld [smem:$0x3FB1]  }
0x31: {  	[smem:$0x3FBA] =	sst s10  }
0x32: {  	s10 =	sld [smem:$0x3FB8];
	_ =	sdelay $0x3  }
0x33: {  	p0 =	seq.s32 s10, $0x1;
	s10 =	sld [smem:$0x3FBA];
	_ =	sdelay $0x3  }
0x34: {  	[smem:$0x3FBA] =	sst s10  }
0x35: {  	s10 =	sld [smem:$0x3FB9];
	_ =	sdelay $0x3  }
0x36: {  	p1 =	seq.s32 s10, $0x1;
	s10 =	sld [smem:$0x3FBA];
	_ =	sdelay $0x3  }
0x37: {  	[smem:$0x3FBA] =	sst s10  }
0x38: {  	s10 =	sld [smem:$0x3FBB]  }
0x39: {  	_ = 	snop;
	(pc) =	sbr.ind lr, $3  }
0x3a: {  	_ = 	snop  }
0x3b: {  	_ = 	snop  }
0x3c: {  	p2 =	seq.s32 s10, $0x1;
	s10 =	sld [smem:$0x3FBA]  }
0x3d: {  	_ =	shalt  }
0x3e: {  	_ =	shalt  }
0x3f: {  	_ =	shalt  }
0x40: {  	_ =	shalt  }
0x41: {  	_ =	shalt  }
0x42: {  	_ =	shalt  }
0x43: {  	_ =	shalt  }
0x44: {  	_ =	shalt  }
0x45: {  	_ =	shalt  }
0x46: {  	_ =	shalt  }
0x47: {  	_ =	shalt  }
0x48: {  	_ =	shalt  }
0x49: {  	_ =	shalt  }
0x4a: {  	_ =	shalt  }
0x4b: {  	_ =	shalt  }
0x4c: {  	_ =	shalt  }
0x4d: {  	_ =	shalt  }
0x4e: {  	_ =	shalt  }
0x4f: {  	_ =	shalt  }
0x50: {  	_ =	shalt  }
0x51: {  	_ =	shalt  }
0x52: {  	_ =	shalt  }
0x53: {  	_ =	shalt  }
0x54: {  	_ =	shalt  }
0x55: {  	_ =	shalt  }
0x56: {  	_ =	shalt  }
0x57: {  	_ =	shalt  }
0x58: {  	_ =	shalt  }
0x59: {  	_ =	shalt  }
0x5a: {  	_ =	shalt  }
0x5b: {  	_ =	shalt  }
0x5c: {  	_ =	shalt  }
0x5d: {  	_ =	shalt  }
0x5e: {  	_ =	shalt  }
0x5f: {  	_ =	shalt  }
0x60: {  	_ =	shalt  }
0x61: {  	_ =	shalt  }
0x62: {  	_ =	shalt  }
0x63: {  	_ =	shalt  }
0x64: {  	_ =	shalt  }
0x65: {  	_ =	shalt  }
0x66: {  	_ =	shalt  }
0x67: {  	_ =	shalt  }
0x68: {  	_ =	shalt  }
0x69: {  	_ =	shalt  }
0x6a: {  	_ =	shalt  }
0x6b: {  	_ =	shalt  }
0x6c: {  	_ =	shalt  }
0x6d: {  	_ =	shalt  }
0x6e: {  	_ =	shalt  }
0x6f: {  	_ =	shalt  }
0x70: {  	_ =	shalt  }
0x71: {  	_ =	shalt  }
0x72: {  	_ =	shalt  }
0x73: {  	_ =	shalt  }
0x74: {  	_ =	shalt  }
0x75: {  	_ =	shalt  }
0x76: {  	_ =	shalt  }
0x77: {  	_ =	shalt  }
0x78: {  	_ =	shalt  }
0x79: {  	_ =	shalt  }
0x7a: {  	_ =	shalt  }
0x7b: {  	_ =	shalt  }
0x7c: {  	_ =	shalt  }
0x7d: {  	_ =	shalt  }
0x7e: {  	_ =	shalt  }
0x7f: {  	_ =	shalt  }
0x80: {  	_ =	shalt  }
0x81: {  	_ =	shalt  }
0x82: {  	_ =	shalt  }
0x83: {  	_ =	shalt  }
0x84: {  	_ =	shalt  }
0x85: {  	_ =	shalt  }
0x86: {  	_ =	shalt  }
0x87: {  	_ =	shalt  }
.Lfunc_end0:
.L_simem_size_0:
called_computation_lowered:
.L_overlay_start_0:
0x88: {  	s2 =	sld [smem:$0x3FD9]  }
0x89: {  	s3 =	sld [smem:$0x3FFE];
	_ =	sdelay $0x1  }
0x8a: {  	s1 =	srdreg.scid  }
0x8b: {  	s0 =	sand.u32 $0x1, s1  }
0x8c: {  	s16 =	sshll.u32 s0, $0xA;
	s2 =	sadd.s32 s3, s2  }
0x8d: {  	s2 =	sadd.s32 s2, s16  }
0x8e: {  	[smem:$0x3FC6] =	sst s2  }
0x8f: {  	_ = 	snop  }
0x90: {  	(tm) =	ssettm $0x1  }
0x91: {  	s17 =	sld [smem:$0x3FFB];
	_ =	sdelay $0x3  }
0x92: {  	_ =	strace s17  }
0x93: {  	s2 =	sld [smem:$0x3FFC];
	_ =	sdelay $0x3  }
0x94: {  	_ =	strace s2  }
0x95: {  	s2 =	sld [smem:$0x3FFD];
	_ =	sdelay $0x3  }
0x96: {  	_ =	strace s2  }
0x97: {  	_ =	strace $0x8FFFFFFF  }
0x98: {  	s18 =	sld [smem:$0x3FDB];
	_ =	sdelay $0x1  }
0x99: {  	s19 =	simm.s32 $_scs_section_size  }
0x9a: {  	s4 =	simm.s32 $_size__tile_overlayer_lowered;
	s5 =	simm.s32 $_tile_overlayer_lowered  }
0x9b: {  	s22 =	simm.s32 $0x1BFF;
	s21 =	sshll.u32 s5, $0x1;
	s2 =	sadd.s32 s19, s18  }
0x9c: {  	s6 =	simm.s32 $0x0;
	s20 =	sshll.u32 s4, $0x1;
	s4 =	sadd.s32 s21, s2  }
0x9d: {  	[timem:s6], [sflag:s22] =	dma.local [hbm:s4], s20  }
0x9e: {  	_ =	swait.ge [sflag:s22], s20  }
0x9f: {  	s3 =	ssub.s32 $0x0, s20;
	[sflag:s22] =	ssyncset.done $0x0  }
0xa0: {  	[sflag:s22] =	ssyncadd.s32 s3;
	_ =	sdelay $0x1  }
0xa1: {  	s23 =	simm.s32 $0x1B8B  }
0xa2: {  	_ =	swait.ge [sflag:s23], $0x1  }
0xa3: {  	[sflag:s23] =	ssyncset.done $0x0  }
0xa4: {  	s25 =	simm.s32 $0x1B8E;
	s24 =	sld [smem:$0x3FFE];
	[sflag:s23] =	ssyncadd.s32 $0xFFFFFFFF  }
0xa5: {  	s26 =	simm.s32 $execute0_lowered;
	[smem:$0x3FD2] =	sst s25  }
0xa6: {  	s4 =	sshll.u32 s26, $0x1;
	_ =	strace $0x80000046;
	[dreg:$0x1] =	wrdreg $0xFFFFFFFF  }
0xa7: {  	s28 =	simm.s32 $_size_execute0_lowered;
	s2 =	sadd.s32 s2, s4;
	[dreg:$0x0] =	wrdreg $0x0  }
0xa8: {  	s4 =	sshll.u32 s28, $0x1;
	[dreg:$0x2] =	wrdreg s2  }
0xa9: {  	[dreg:$0x3] =	wrdreg s4  }
0xaa: {  	[dreg:$0x4] =	wrdreg $0xC0  }
0xab: {  	_ =	task [dreg:s6], $0x5FFFF  }
0xac: {  	[dreg:$0x1] =	wrdreg $0xFFFFFFFF  }
0xad: {  	[dreg:$0x0] =	wrdreg $0x60  }
0xae: {  	[dreg:$0x2] =	wrdreg s24  }
0xaf: {  	[dreg:$0x3] =	wrdreg $0x9  }
0xb0: {  	_ =	task.clear_ibuf [dreg:s6], $0x4FFFF;
	_ =	strace $0x90000046  }
0xb1: {  	s29 =	simm.s32 $0x9;
	_ =	strace $0x80000048  }
0xb2: {  	_ =	swait.ge [sflag:s29], $0x1  }
0xb3: {  	[sflag:s29] =	ssyncadd.s32 $0xFFFFFFFF  }
0xb4: {  	_ =	strace $0x90000048  }
0xb5: {  	_ =	sfence  }
0xb6: {  	s30 =	sld [smem:$0x0];
	_ =	sdelay $0x2  }
0xb7: {  	s31 =	sshll.u32 s1, $0xD;
	s1 =	sshrl.u32 s1, $0x2  }
0xb8: {  	s3 =	sand.u32 $0x4000, s31;
	s1 =	sadd.s32 s1, s30  }
0xb9: {  	s0 =	sor.u32 s3, s0;
	s1 =	sshll.u32 s1, $0x11  }
0xba: {  	s0 =	sor.u32 s1, s0  }
0xbb: {  	s0 =	sadd.s32 $0x8F2B, s0  }
0xbc: {  	[sflag:s0] =	ssyncadd.remote.s32 $0x1  }
0xbd: {  	_ =	sfence.sel $0xFFFF  }
0xbe: {  	[dreg:$0x0] =	wrdreg $0xFFFFFFFF;
	(pc) =	sbr.abs _section_cstart, $3  }
0xbf: {  	[dreg:$0x1] =	wrdreg $0xFFFFFFFF  }
0xc0: {  	_ =	task.clear_ibuf [dreg:s6], $0x2FFFF;
	_ =	strace $0x9FFFFFFF  }
0xc1: {  	(tm) =	ssettm $0x7FFFFFFF  }
tec
execute0_lowered:
.L_overlay_start_1:
0x0: {  	(tag) =	ssettag $0x1  }
0x1: {  	s6 =	rddreg [dreg:$0x0];
	s2 =	simm.s32 $0x0;
	s3 =	srdreg.scid  }
0x2: {  	s0 =	stileid.u32;
	s16 =	simm.s32 $0x5;
	s17 =	simm.s32 $0x3E8  }
0x3: {  	s19 =	simm.s32 $0x7D0;
	s20 =	simm.s32 $0xBB8;
	[smem:$0x7FF] =	sst s2  }
0x4: {  	s7 =	sand.u32 $0x1, s3;
	s22 =	sshll.u32 s0, $0x1;
	s3 =	sadd.s32 $0x187400, s6  }
0x5: {  	s5 =	sadd.s32 $0xA00, s6;
	s24 =	smul.u32 $0xC40, s0;
	_ =	strace $0x80000047  }
0x6: {  	s8 =	sor.u32 s7, s22;
	s23 =	ssub.s32 $0x2, s7;
	s7 =	smul.u32 $0x620, s7  }
0x7: {  	s22 =	simm.s32 $0xD2F0;
	s4 =	smul.u32 $0xC350, s8;
	s9 =	sshll.u32 s8, $0x1  }
0x8: {  	s8 =	smul.u32 $0x620, s8;
	s10 =	sshrl.u32 s23, $0x1;
	s11 =	sadd.s32 s9, s6  }
0x9: {  	s13 =	ssub.s32 s23, s10;
	s9 =	sadd.s32 s7, s24;
	s24 =	simm.s32 $0x1F070  }
0xa: {  	s12 =	smin.u32 s8, $0xBD30;
	s26 =	sshrl.u32 s4, $0x3;
	s9 =	smax.u32 s9, $0xBD30  }
0xb: {  	s28 =	sadd.s32 $0x3E8, s4;
	s29 =	sadd.s32 $0x186DE8, s4;
	s11 =	sadd.s32 $0x62600, s11  }
0xc: {  	s23 =	ssub.s32 s8, s12;
	s25 =	sshll.u32 s12, $0x1;
	s7 =	sadd.s32 s5, s26  }
0xd: {  	s9 =	sadd.s32 $0xFFFF42D0, s9;
	s10 =	sshrl.u32 s28, $0x3;
	s30 =	sshrl.u32 s29, $0x3  }
.Ltmp0:
0xe: {  	s12 =	smax.u32 s13, $0x1;
	s6 =	sadd.s32 s25, s3;
	(pc) =	sbr.rel .LBB2_1-.Ltmp0, $4  }
0xf: {  	s8 =	sadd.s32 $0x30D40, s7;
	s14 =	sshrl.u32 s9, $0x3;
	s9 =	sadd.s32 s5, s10  }
0x10: {  	s10 =	sadd.s32 s5, s30;
	p0 =	sgt.u32 s23, $0x61F;
	s31 =	sshll.u32 s14, $0x9  }
0x11: {  	s23 =	simm.s32 $0x4;
	s25 =	simm.s32 $0x0;
	s15 =	sshra.s32 s31, $0x2  }
0x12: {  	s6 =	sadd.s32 $0x186A0, s6;
	s13 =	sadd.s32 $0xFFFFFFFF, s14;
	s14 =	sadd.s32 $0x18EB0, s15  }
.LBB2_8:
0x13: {  	v3 =	vadd.f32 v4, v3;
	v2 =	vmul.f32 v2, v2;
	_ =	sdelay $0x1  }
0x14: {  	v1 =	vmul.f32 v1, v1;
	v2 =	vadd.f32 v2, v3;
	_ =	sdelay $0x1  }
0x15: {  	v1 =	vadd.f32 v1, v2;
	_ =	sdelay $0x1  }
0x16: {  	v0 =	vadd.f32 v1, v0  }
.LBB2_9:
0x17: {  	s25 =	sadd.s32 $0x1, s25  }
0x18: {  	p1 =	sne.s32 s25, s12  }
.Ltmp1:
0x19: {  	[tilespmem:$0x1F070] =	vst v0;
	(pc) =	sbr.rel @!p1 .LBB2_10-.Ltmp1, $4  }
0x1a: {  	[hbm4b:s11+s2] =	stream.linear.scatter [tilespmem:s24], [sflag:$0x5], $0x10, $0x38;
	[tilespmem:$0x1F080] =	vst v63  }
0x1b: {  	_ =	swait.ge [sflag:s16], $0x10  }
0x1c: {  	[sflag:s16] =	ssyncset.done $0x0  }
0x1d: {  	[sflag:s16] =	ssyncadd.s32 $0xFFFFFFF0  }
.LBB2_1:
0x1e: {  	s0 =	simm.s32 $0x18E70  }
0x1f: {  	[tilespmem:s0], [sflag:$0x4] =	stream.linear.gather [hbm4b:s6+s2], $0x6200, $0x38;
	[tilespmem:$0x1F080] =	vst v63  }
0x20: {  	_ = 	snop  }
0x21: {  	[tilespmem:s2], [sflag:$0x5] =	stream.linear.gather [hbm4b:s7+s2], $0x3E8, $0x38;
	[tilespmem:$0x1F080] =	vst v63  }
0x22: {  	_ =	swait.ge [sflag:s16], $0x3E8  }
0x23: {  	[sflag:s16] =	ssyncset.done $0x0  }
0x24: {  	[sflag:s16] =	ssyncadd.s32 $0xFFFFFC18  }
0x25: {  	[tilespmem:s17], [sflag:$0x5] =	stream.linear.gather [hbm4b:s8+s2], $0x3E8, $0x38;
	[tilespmem:$0x1F080] =	vst v63  }
0x26: {  	_ =	swait.ge [sflag:s16], $0x3E8  }
0x27: {  	[sflag:s16] =	ssyncset.done $0x0  }
0x28: {  	s26 =	simm.s32 $0x1770;
	[sflag:s16] =	ssyncadd.s32 $0xFFFFFC18  }
0x29: {  	[tilespmem:s26], [sflag:$0x1] =	stream.indirect.gather [hbm4b:s3+s17], $0x10, s2, s17, $0xb8;
	[tilespmem:$0x1F080] =	vst v63  }
0x2a: {  	s30 =	simm.s32 $0x55F0  }
0x2b: {  	[tilespmem:s30], [sflag:$0x1] =	stream.indirect.gather [hbm4b:s3+s17], $0x10, s17, s17, $0xb8;
	[tilespmem:$0x1F080] =	vst v63  }
0x2c: {  	_ = 	snop  }
0x2d: {  	[tilespmem:s19], [sflag:$0x5] =	stream.linear.gather [hbm4b:s9+s2], $0x3E8, $0x38;
	[tilespmem:$0x1F080] =	vst v63  }
0x2e: {  	_ =	swait.ge [sflag:s16], $0x3E8  }
0x2f: {  	[sflag:s16] =	ssyncset.done $0x0  }
0x30: {  	[sflag:s16] =	ssyncadd.s32 $0xFFFFFC18  }
0x31: {  	[tilespmem:s20], [sflag:$0x5] =	stream.linear.gather [hbm4b:s10+s2], $0x3E8, $0x38;
	[tilespmem:$0x1F080] =	vst v63  }
0x32: {  	_ =	swait.ge [sflag:s16], $0x3E8  }
0x33: {  	[sflag:s16] =	ssyncset.done $0x0  }
0x34: {  	s31 =	simm.s32 $0x9470;
	[sflag:s16] =	ssyncadd.s32 $0xFFFFFC18  }
0x35: {  	[tilespmem:s31], [sflag:$0x2] =	stream.indirect.gather [hbm4b:s3+s17], $0x10, s19, s17, $0xb8;
	[tilespmem:$0x1F080] =	vst v63  }
0x36: {  	s28 =	simm.s32 $0x0  }
0x37: {  	v1 =	vimm.f32 $0.0e+00;
	v0 =	vimm.f32 $0.0e+00;
	[tilespmem:s22], [sflag:$0x2] =	stream.indirect.gather [hbm4b:s3+s17], $0x10, s20, s17, $0xb8;
	[tilespmem:$0x1F080] =	vst v63  }
.LBB2_2:
0x38: {  	p1 =	sgt.u32 s28, $0x2F  }
0x39: {  	s29 =	sadd.s32 @!p1 $0x2, s28  }
0x3a: {  	s30 =	smul.u32 @!p1 $0xAB, s29;
	_ =	sdelay $0x1  }
0x3b: {  	s30 =	sshrl.u32 @!p1 s30, $0x9  }
0x3c: {  	s30 =	sand.u32 @!p1 $0x7F, s30  }
0x3d: {  	s30 =	smul.u32 @!p1 $0x3, s30;
	_ =	sdelay $0x1  }
0x3e: {  	s30 =	ssub.s32 @!p1 s29, s30;
	s29 =	smul.u32 @!p1 $0x3E8, s29  }
0x3f: {  	s0 =	smul.u32 $0xAB, s28;
	s30 =	sand.u32 @!p1 $0xFF, s30  }
0x40: {  	s31 =	smul.u32 @!p1 $0x1F40, s30;
	s29 =	sadd.s32 @!p1 s4, s29  }
0x41: {  	s1 =	simm.s32 @!p1 $0x0;
	s15 =	simm.s32 @!p1 $0x5;
	s29 =	sshrl.u32 @!p1 s29, $0x3  }
0x42: {  	s0 =	sshrl.u32 s0, $0x9;
	s31 =	sshrl.u32 @!p1 s31, $0x2;
	s29 =	sadd.s32 @!p1 s5, s29  }
0x43: {  	[tilespmem:s31], [sflag:$0x5] =	stream.linear.gather @!p1 [hbm4b:s29+s1], $0x3E8, $0x38;
	[tilespmem:$0x1F080] =	vst v63  }
0x44: {  	s18 =	smulhi.u32 $0xAAAAAAAB, s28;
	s0 =	sand.u32 $0x7F, s0;
	_ =	swait.ge @!p1 [sflag:s15], $0x3E8  }
0x45: {  	s0 =	smul.u32 $0x3, s0;
	[sflag:s15] =	ssyncset.done @!p1 $0x0  }
0x46: {  	s21 =	sadd.s32 @!p1 $0x3E8, s31;
	s29 =	sadd.s32 @!p1 $0x30D40, s29;
	[sflag:s15] =	ssyncadd.s32 @!p1 $0xFFFFFC18  }
0x47: {  	[tilespmem:s21], [sflag:$0x5] =	stream.linear.gather @!p1 [hbm4b:s29+s1], $0x3E8, $0x38;
	[tilespmem:$0x1F080] =	vst v63  }
0x48: {  	s1 =	smul.u32 @!p1 $0x1F400, s30  }
0x49: {  	s18 =	sshrl.u32 s18, $0x1;
	s0 =	ssub.s32 s28, s0;
	_ =	swait.ge @!p1 [sflag:s15], $0x3E8  }
0x4a: {  	s29 =	sadd.s32 @!p1 $0x1, s30;
	[sflag:s15] =	ssyncset.done @!p1 $0x0;
	s1 =	sshrl.u32 @!p1 s1, $0x2  }
0x4b: {  	s30 =	simm.s32 @!p1 $0x3E8;
	[sflag:s15] =	ssyncadd.s32 @!p1 $0xFFFFFC18;
	s15 =	sadd.s32 @!p1 $0x1770, s1  }
0x4c: {  	[tilespmem:s15], [sflag:s29] =	stream.indirect.gather @!p1 [hbm4b:s3+s30], $0x10, s31, s30, $0xb8;
	[tilespmem:$0x1F080] =	vst v63  }
0x4d: {  	s18 =	smul.u32 $0xFFFA2400, s18;
	s0 =	sand.u32 $0xFF, s0;
	s1 =	sadd.s32 @!p1 $0x55F0, s1  }
0x4e: {  	[tilespmem:s1], [sflag:s29] =	stream.indirect.gather @!p1 [hbm4b:s3+s30], $0x10, s21, s30, $0xb8;
	[tilespmem:$0x1F080] =	vst v63  }
0x4f: {  	s0 =	sadd.s32 $0x1, s0;
	s21 =	sshra.s32 s18, $0x2  }
0x50: {  	s1 =	sadd.s32 s21, s26;
	_ =	swait.ge [sflag:s0], $0x3E80  }
0x51: {  	[sflag:s0] =	ssyncset.done $0x0;
	v2 =	vmov s1  }
0x52: {  	[sflag:s0] =	ssyncadd.s32 $0xFFFFC180  }
0x53: {  	_ =	swait.ge [sflag:s0], $0x3E80  }
0x54: {  	[sflag:s0] =	ssyncset.done $0x0  }
0x55: {  	s31 =	simm.s32 $0x40;
	[sflag:s0] =	ssyncadd.s32 $0xFFFFC180  }
0x56: {  	v9 =	vld.idx.msk [tilespmem:v2+s31+$0x20 ss:$0x1], $0xffff  }
0x57: {  	v10 =	vld.idx.msk [tilespmem:v2+s31+$0x3EA0 ss:$0x1], $0xffff  }
0x58: {  	v6 =	vld.idx.msk [tilespmem:v2+s31+$0x0 ss:$0x1], $0xffff  }
0x59: {  	v8 =	vld.idx.msk [tilespmem:v2+s31+$0x3E80 ss:$0x1], $0xffff  }
0x5a: {  	v11 =	vld.idx.msk [tilespmem:v2+s31+$0x10 ss:$0x1], $0xffff  }
0x5b: {  	v5 =	vld.idx.msk [tilespmem:v2+s31+$0xFFFFFFE0 ss:$0x1], $0xffff  }
0x5c: {  	v7 =	vld.idx.msk [tilespmem:v2+s31+$0x3E60 ss:$0x1], $0xffff  }
0x5d: {  	v4 =	vld.idx.msk [tilespmem:v2+s31+$0xFFFFFFC0 ss:$0x1], $0xffff  }
0x5e: {  	v12 =	vld.idx.msk [tilespmem:v2+s31+$0x3E40 ss:$0x1], $0xffff  }
0x5f: {  	v13 =	vld.idx.msk [tilespmem:v2+s31+$0xFFFFFFD0 ss:$0x1], $0xffff  }
0x60: {  	v14 =	vld.idx.msk [tilespmem:v2+s31+$0x3E50 ss:$0x1], $0xffff  }
0x61: {  	v15 =	vld.idx.msk [tilespmem:v2+s31+$0xFFFFFFF0 ss:$0x1], $0xffff  }
0x62: {  	v16 =	vld.idx.msk [tilespmem:v2+s31+$0x3E70 ss:$0x1], $0xffff  }
0x63: {  	v17 =	vld.idx.msk [tilespmem:v2+s31+$0x3E90 ss:$0x1], $0xffff  }
0x64: {  	v18 =	vld.idx.msk [tilespmem:v2+s31+$0x30 ss:$0x1], $0xffff  }
0x65: {  	s29 =	simm.s32 $0xC0;
	v19 =	vld.idx.msk [tilespmem:v2+s31+$0x3EB0 ss:$0x1], $0xffff  }
0x66: {  	v3 =	vld.idx.msk [tilespmem:v2+s29+$0x20 ss:$0x1], $0xffff;
	v12 =	vsub.f32 v4, v12;
	v13 =	vsub.f32 v13, v14  }
0x67: {  	v4 =	vld.idx.msk [tilespmem:v2+s29+$0x3EA0 ss:$0x1], $0xffff;
	v14 =	vsub.f32 v5, v7  }
0x68: {  	v7 =	vld.idx.msk [tilespmem:v2+s29+$0x0 ss:$0x1], $0xffff;
	v15 =	vsub.f32 v15, v16;
	v12 =	vmul.f32 v12, v12;
	v13 =	vmul.f32 v13, v13  }
0x69: {  	v5 =	vld.idx.msk [tilespmem:v2+s29+$0x3E80 ss:$0x1], $0xffff;
	v16 =	vsub.f32 v6, v8;
	v11 =	vsub.f32 v11, v17;
	v14 =	vmul.f32 v14, v14  }
0x6a: {  	v6 =	vld.idx.msk [tilespmem:v2+s29+$0x10 ss:$0x1], $0xffff;
	v15 =	vmul.f32 v15, v15;
	v12 =	vadd.f32 v12, v1;
	v13 =	vadd.f32 v13, v1  }
0x6b: {  	v8 =	vld.idx.msk [tilespmem:v2+s29+$0xFFFFFFE0 ss:$0x1], $0xffff;
	v17 =	vsub.f32 v9, v10;
	v18 =	vsub.f32 v18, v19;
	v16 =	vmul.f32 v16, v16  }
0x6c: {  	v9 =	vld.idx.msk [tilespmem:v2+s29+$0x3E60 ss:$0x1], $0xffff;
	v12 =	vadd.f32 v14, v12;
	v14 =	vadd.f32 v15, v13;
	v15 =	vmul.f32 v11, v11  }
0x6d: {  	v10 =	vld.idx.msk [tilespmem:v2+s29+$0xFFFFFFC0 ss:$0x1], $0xffff;
	v13 =	vmul.f32 v17, v17  }
0x6e: {  	v11 =	vld.idx.msk [tilespmem:v2+s29+$0x3E40 ss:$0x1], $0xffff;
	v16 =	vadd.f32 v16, v12;
	v14 =	vadd.f32 v15, v14;
	v15 =	vmul.f32 v18, v18  }
0x6f: {  	s30 =	simm.s32 $0x500;
	v12 =	vld.idx.msk [tilespmem:v2+s29+$0xFFFFFFD0 ss:$0x1], $0xffff  }
.LBB2_3:
0x70: {  	p1 =	sne.s32 s30, $0xF900;
	v17 =	vld.idx.msk [tilespmem:v2+s29+$0x3E50 ss:$0x1], $0xffff;
	v13 =	vadd.f32 v13, v16;
	v14 =	vadd.f32 v15, v14  }
0x71: {  	v15 =	vld.idx.msk [tilespmem:v2+s29+$0xFFFFFFF0 ss:$0x1], $0xffff  }
0x72: {  	v16 =	vld.idx.msk [tilespmem:v2+s29+$0x3E70 ss:$0x1], $0xffff  }
0x73: {  	v18 =	vld.idx.msk [tilespmem:v2+s29+$0x3E90 ss:$0x1], $0xffff  }
0x74: {  	v19 =	vld.idx.msk [tilespmem:v2+s29+$0x30 ss:$0x1], $0xffff  }
0x75: {  	v20 =	vld.idx.msk [tilespmem:v2+s29+$0x3EB0 ss:$0x1], $0xffff;
	s29 =	sshra.s32 s30, $0x2  }
0x76: {  	v10 =	vsub.f32 v10, v11;
	v11 =	vsub.f32 v12, v17;
	v21 =	vld.idx.msk [tilespmem:v2+s29+$0x20 ss:$0x1], $0xffff  }
0x77: {  	v8 =	vsub.f32 v8, v9;
	v12 =	vld.idx.msk [tilespmem:v2+s29+$0x3EA0 ss:$0x1], $0xffff  }
0x78: {  	v9 =	vmul.f32 v10, v10;
	v10 =	vmul.f32 v11, v11;
	v11 =	vsub.f32 v15, v16;
	v17 =	vld.idx.msk [tilespmem:v2+s29+$0x0 ss:$0x1], $0xffff  }
0x79: {  	v7 =	vsub.f32 v7, v5;
	v15 =	vmul.f32 v8, v8;
	v16 =	vsub.f32 v6, v18;
	v5 =	vld.idx.msk [tilespmem:v2+s29+$0x3E80 ss:$0x1], $0xffff  }
0x7a: {  	v13 =	vadd.f32 v9, v13;
	v10 =	vadd.f32 v10, v14;
	v11 =	vmul.f32 v11, v11;
	v6 =	vld.idx.msk [tilespmem:v2+s29+$0x10 ss:$0x1], $0xffff  }
.Ltmp2:
0x7b: {  	v22 =	vsub.f32 v3, v4;
	v7 =	vmul.f32 v7, v7;
	v18 =	vsub.f32 v19, v20;
	v8 =	vld.idx.msk [tilespmem:v2+s29+$0xFFFFFFE0 ss:$0x1], $0xffff;
	(pc) =	sbr.rel @p1 .LBB2_3-.Ltmp2, $4  }
0x7c: {  	v14 =	vadd.f32 v15, v13;
	v19 =	vmul.f32 v16, v16;
	v15 =	vadd.f32 v11, v10;
	v9 =	vld.idx.msk [tilespmem:v2+s29+$0x3E60 ss:$0x1], $0xffff  }
0x7d: {  	v13 =	vmul.f32 v22, v22;
	v3 =	vmov v21;
	v4 =	vmov v12;
	v10 =	vld.idx.msk [tilespmem:v2+s29+$0xFFFFFFC0 ss:$0x1], $0xffff  }
0x7e: {  	v16 =	vadd.f32 v7, v14;
	v14 =	vadd.f32 v19, v15;
	v15 =	vmul.f32 v18, v18;
	v11 =	vld.idx.msk [tilespmem:v2+s29+$0x3E40 ss:$0x1], $0xffff  }
0x7f: {  	s30 =	sadd.s32 $0x200, s30;
	v7 =	vmov v17;
	v12 =	vld.idx.msk [tilespmem:v2+s29+$0xFFFFFFD0 ss:$0x1], $0xffff  }
0x80: {  	_ =	sdelay $0x3  }
0x81: {  	v17 =	vld.idx.msk [tilespmem:v2+s29+$0x3E50 ss:$0x1], $0xffff  }
0x82: {  	v18 =	vld.idx.msk [tilespmem:v2+s29+$0xFFFFFFF0 ss:$0x1], $0xffff  }
0x83: {  	v19 =	vld.idx.msk [tilespmem:v2+s29+$0x3E70 ss:$0x1], $0xffff  }
0x84: {  	v20 =	vld.idx.msk [tilespmem:v2+s29+$0x3E90 ss:$0x1], $0xffff  }
0x85: {  	v13 =	vadd.f32 v13, v16;
	v52 =	vld.idx.msk [tilespmem:v2+s29+$0x30 ss:$0x1], $0xffff  }
0x86: {  	v2 =	vld.idx.msk [tilespmem:v2+s29+$0x3EB0 ss:$0x1], $0xffff;
	v10 =	vsub.f32 v10, v11;
	v53 =	vsub.f32 v12, v17  }
0x87: {  	v54 =	vadd.f32 v15, v14;
	v8 =	vsub.f32 v8, v9  }
0x88: {  	v55 =	vmul.f32 v10, v10;
	v57 =	vsub.f32 v18, v19;
	v56 =	vmul.f32 v53, v53  }
0x89: {  	v5 =	vsub.f32 v7, v5;
	v8 =	vmul.f32 v8, v8;
	v6 =	vsub.f32 v6, v20  }
0x8a: {  	v58 =	vadd.f32 v55, v13;
	v60 =	vmul.f32 v57, v57;
	v59 =	vadd.f32 v56, v54  }
0x8b: {  	v3 =	vsub.f32 v3, v4;
	v5 =	vmul.f32 v5, v5;
	v2 =	vsub.f32 v52, v2  }
0x8c: {  	v6 =	vmul.f32 v6, v6;
	v61 =	vadd.f32 v8, v58;
	v62 =	vadd.f32 v60, v59  }
0x8d: {  	v3 =	vmul.f32 v3, v3  }
0x8e: {  	s28 =	sadd.s32 $0x1, s28;
	v2 =	vmul.f32 v2, v2;
	v4 =	vadd.f32 v5, v61;
	v63 =	vadd.f32 v6, v62  }
0x8f: {  	p1 =	sne.s32 s28, $0x32  }
.Ltmp3:
0x90: {  	v3 =	vadd.f32 v3, v4;
	v2 =	vadd.f32 v2, v63;
	(pc) =	sbr.rel @p1 .LBB2_2-.Ltmp3, $3  }
0x91: {  	_ = 	snop  }
0x92: {  	v2 =	vadd.f32 v2, v3;
	_ =	sdelay $0x1  }
0x93: {  	s26 =	sadd.s32 $0x7D00, s26;
	v0 =	vadd.f32 v2, v0  }
.Ltmp4:
0x94: {  	(pc) =	sbr.rel @p0 .LBB2_9-.Ltmp4, $4  }
0x95: {  	_ = 	snop  }
0x96: {  	_ =	swait.ge [sflag:s23], $0x6200  }
0x97: {  	[sflag:s23] =	ssyncset.done $0x0  }
0x98: {  	v1 =	vimm.f32 $0.0e+00;
	[sflag:s23] =	ssyncadd.s32 $0xFFFF9E00  }
0x99: {  	v2 =	vld [tilespmem:s14+$0xFFFFFFC0];
	_ =	sdelay $0x1  }
0x9a: {  	v3 =	vld [tilespmem:s14+$0xFFFFFFD0];
	_ =	sdelay $0x1  }
0x9b: {  	v4 =	vld [tilespmem:s14+$0xFFFFFFE0]  }
0x9c: {  	v2 =	vmul.f32 v2, v2  }
0x9d: {  	v5 =	vld [tilespmem:s14+$0xFFFFFFF0]  }
0x9e: {  	v1 =	vadd.f32 v2, v1;
	v2 =	vmul.f32 v3, v3;
	_ =	sdelay $0x1  }
0x9f: {  	v3 =	vld [tilespmem:s14+$0x0];
	v1 =	vadd.f32 v2, v1;
	v2 =	vmul.f32 v4, v4;
	_ =	sdelay $0x1  }
0xa0: {  	s26 =	sadd.s32 $0x1, s13;
	v4 =	vld [tilespmem:s14+$0x10];
	v1 =	vadd.f32 v2, v1;
	v2 =	vmul.f32 v5, v5  }
0xa1: {  	p1 =	slt.u32 s26, $0xC3  }
.Ltmp5:
0xa2: {  	v5 =	vadd.f32 v2, v1;
	v2 =	vld [tilespmem:s14+$0x20];
	(pc) =	sbr.rel @!p1 .LBB2_8-.Ltmp5, $4  }
0xa3: {  	v3 =	vmul.f32 v3, v3  }
0xa4: {  	v1 =	vld [tilespmem:s14+$0x30]  }
0xa5: {  	v4 =	vmul.f32 v4, v4;
	v3 =	vadd.f32 v3, v5  }
0xa6: {  	s28 =	sadd.s32 $0x80, s14  }
.LBB2_7:
0xa7: {  	v5 =	vld [tilespmem:s28+$0xFFFFFFC0];
	s26 =	sadd.s32 $0x1, s26  }
0xa8: {  	v3 =	vadd.f32 v4, v3;
	v2 =	vmul.f32 v2, v2;
	p1 =	slt.u32 s26, $0xC3  }
0xa9: {  	v4 =	vld [tilespmem:s28+$0xFFFFFFD0]  }
0xaa: {  	v1 =	vmul.f32 v1, v1;
	v2 =	vadd.f32 v2, v3  }
0xab: {  	v3 =	vld [tilespmem:s28+$0xFFFFFFE0]  }
0xac: {  	v1 =	vadd.f32 v1, v2;
	v5 =	vmul.f32 v5, v5  }
0xad: {  	v2 =	vld [tilespmem:s28+$0xFFFFFFF0]  }
0xae: {  	v1 =	vadd.f32 v5, v1;
	v4 =	vmul.f32 v4, v4  }
0xaf: {  	v5 =	vld [tilespmem:s28+$0x0]  }
0xb0: {  	v1 =	vadd.f32 v4, v1;
	v3 =	vmul.f32 v3, v3  }
0xb1: {  	v4 =	vld [tilespmem:s28+$0x10]  }
.Ltmp6:
0xb2: {  	v1 =	vadd.f32 v3, v1;
	v3 =	vmul.f32 v2, v2;
	(pc) =	sbr.rel @p1 .LBB2_7-.Ltmp6, $4  }
0xb3: {  	v2 =	vld [tilespmem:s28+$0x20]  }
0xb4: {  	v3 =	vadd.f32 v3, v1;
	v5 =	vmul.f32 v5, v5  }
0xb5: {  	v1 =	vld [tilespmem:s28+$0x30]  }
0xb6: {  	s28 =	sadd.s32 $0x80, s28;
	v3 =	vadd.f32 v5, v3;
	v4 =	vmul.f32 v4, v4  }
.Ltmp7:
0xb7: {  	_ = 	snop;
	(pc) =	sbr.rel .LBB2_8-.Ltmp7, $1  }
0xb8: {  	_ =	sdelay $0x3  }
.LBB2_10:
0xb9: {  	_ =	sfence.sel $0x180000  }
0xba: {  	[bflag:$0x0] =	sbarrier.arrive $0xFFFF  }
0xbb: {  	_ =	strace $0x90000047  }
0xbc: {  	s0 =	stileid.u32;
	[bflag:$0x2] =	sbarrier.arrive $0xFFFF  }
0xbd: {  	p0 =	sne.s32 s0, $0x0;
	s0 =	rddreg [dreg:$0x1]  }
0xbe: {  	s0 =	sadd.s32 @!p0 $0x100000, s0  }
0xbf: {  	[sflag:s0] =	ssyncadd.tile.s32 @!p0 $0x1;
	_ =	shalt  }
.Lfunc_end2:
_tile_overlayer_lowered:
.L_overlay_start_2:
0xc0: {  	(tag) =	ssettag $0x2  }
0xc1: {  	s0 =	rddreg [dreg:$0x0];
	s2 =	stileid.u32  }
0xc2: {  	s1 =	rddreg [dreg:$0x1];
	p0 =	sne.s32 s2, $0x0  }
0xc3: {  	s3 =	rddreg [dreg:$0x2];
	[bflag:$0x3] =	sbarrier.arrive $0xFFFF;
	s2 =	simm.s32 @!p0 $0x1C05  }
0xc4: {  	[timem:s3], [sflag:s2] =	dma.local @!p0 [hbm:s0], s1  }
0xc5: {  	s0 =	simm.s32 @!p0 $0x5  }
0xc6: {  	_ =	swait.ge @!p0 [sflag:s0], s1  }
0xc7: {  	s1 =	ssub.s32 @!p0 $0x0, s1;
	[sflag:s0] =	ssyncset.done @!p0 $0x0  }
0xc8: {  	[sflag:s0] =	ssyncadd.s32 @!p0 s1  }
0xc9: {  	[bflag:$0x3] =	sbarrier.arrive $0xFFFF  }
0xca: {  	_ =	shalt  }

</sc_bundles>
